<compile_context>
chip_gen: v7x
topology: tpu7x:2x2x1
jax: 0.10.2.dev20260603
libtpu: 0.0.44.dev20260713+nightly
codegen_flags: <defaults>
</compile_context>

<pallas_src>
import functools

import jax
import jax.numpy as jnp
from jax import lax
from jax.experimental import pallas as pl
from jax.experimental.pallas import tpu as pltpu
from jax.experimental.pallas import tpu_sc as plsc

N = 4096
K = 16
IN_C = 128
OUT_C = 128
EMB = 10
GRID = 0.5
GB = 16
NVOX = GB * GB * GB
E = 2 * N * K

_NC = 2
_NS = 16
_NW = _NC * _NS
_CH = 128




def _sc_gather(table, idx):
    V, D = table.shape
    B = idx.shape[0]
    per_w = B // _NW
    nch = per_w // _CH
    mesh = plsc.VectorSubcoreMesh(core_axis_name="c", subcore_axis_name="s",
                                  num_cores=_NC, num_subcores=_NS)

    @functools.partial(
        pl.kernel, mesh=mesh,
        out_type=jax.ShapeDtypeStruct((B, D), jnp.float32),
        scratch_types=[
            pltpu.VMEM((_CH,), jnp.int32),
            pltpu.VMEM((_CH, D), jnp.float32),
            pltpu.SemaphoreType.DMA,
        ],
    )
    def k(table_hbm, idx_hbm, out_hbm, idx_v, rows_v, sem):
        wid = lax.axis_index("s") * _NC + lax.axis_index("c")
        base = wid * per_w

        def body(c, carry):
            off = base + c * _CH
            pltpu.sync_copy(idx_hbm.at[pl.ds(off, _CH)], idx_v)
            pltpu.async_copy(table_hbm.at[idx_v], rows_v, sem).wait()
            pltpu.sync_copy(rows_v, out_hbm.at[pl.ds(off, _CH)])
            return carry

        lax.fori_loop(0, nch, body, 0)

    return k(table, idx)



_BP = 512


def _pre_kernel(x_ref, pos8_ref, noise16_ref,
                gW1_ref, gb1_ref, gW2_ref, gb2_ref,
                wq_ref, bq_ref, pW1_ref,
                emb16_ref, xq_ref, U_ref):
    xb = x_ref[...]
    h = jax.nn.relu(xb @ gW1_ref[...] + gb1_ref[...])
    emb16_ref[...] = h @ gW2_ref[...] + gb2_ref[...] + noise16_ref[...]
    xq_ref[...] = xb @ wq_ref[...] + bq_ref[...]
    U_ref[:, :IN_C] = xb
    U_ref[:, IN_C:] = jnp.dot(pos8_ref[...], pW1_ref[...],
                              preferred_element_type=jnp.float32)


def _precompute(x, pos, noise, params):
    C = OUT_C
    pos8 = jnp.zeros((N, 8), jnp.float32).at[:, :3].set(pos)
    noise16 = jnp.zeros((N, 16), jnp.float32).at[:, :EMB].set(noise)
    gW2p = jnp.zeros((IN_C, 16), jnp.float32).at[:, :EMB].set(params['g_W2'])
    gb2p = jnp.zeros((1, 16), jnp.float32).at[0, :EMB].set(params['g_b2'])
    pW1p = jnp.zeros((8, C), jnp.float32).at[:3].set(params['pos_W1'])
    cw = lambda r, c: pl.BlockSpec((r, c), lambda i: (0, 0))
    return pl.pallas_call(
        _pre_kernel,
        grid=(N // _BP,),
        in_specs=[
            pl.BlockSpec((_BP, IN_C), lambda i: (i, 0)),
            pl.BlockSpec((_BP, 8), lambda i: (i, 0)),
            pl.BlockSpec((_BP, 16), lambda i: (i, 0)),
            cw(IN_C, IN_C), cw(1, IN_C), cw(IN_C, 16), cw(1, 16),
            cw(IN_C, C), cw(1, C), cw(8, C),
        ],
        out_specs=[
            pl.BlockSpec((_BP, 16), lambda i: (i, 0)),
            pl.BlockSpec((_BP, C), lambda i: (i, 0)),
            pl.BlockSpec((_BP, 2 * C), lambda i: (i, 0)),
        ],
        out_shape=[
            jax.ShapeDtypeStruct((N, 16), jnp.float32),
            jax.ShapeDtypeStruct((N, C), jnp.float32),
            jax.ShapeDtypeStruct((N, 2 * C), jnp.float32),
        ],
    )(x, pos8, noise16,
      params['g_W1'], params['g_b1'].reshape(1, IN_C), gW2p, gb2p,
      params['W_dst'], params['b_dst'].reshape(1, C), pW1p)



_BT = 256


def _topk16(vals, colf, largest, want_vals):
    idxs = []
    vs = []
    cur = vals[...]
    cf = colf[...]
    inf = jnp.float32(jnp.inf)
    for k in range(K):
        if largest:
            m = jnp.max(cur, axis=1, keepdims=True)
        else:
            m = jnp.min(cur, axis=1, keepdims=True)
        eqm = cur == m
        sel = jnp.where(eqm, cf, jnp.float32(N))
        sidx = jnp.min(sel, axis=1, keepdims=True)
        idxs.append(sidx)
        vs.append(m)
        if k + 1 < K:
            cur = jnp.where(eqm, -inf if largest else inf, cur)
    return (jnp.concatenate(idxs, axis=1).astype(jnp.int32),
            jnp.concatenate(vs, axis=1) if want_vals else None)


def _soft_kernel(t_ref, emb16_ref, embT16_ref, sqe_c_ref, sqe_r_ref, uT_ref,
                 topi_ref, sv_ref, vals, colf):
    colid = lax.broadcasted_iota(jnp.int32, (_BT, N), 1)
    colf[...] = colid.astype(jnp.float32)
    ed2 = jnp.maximum(
        sqe_c_ref[...] + sqe_r_ref[...]
        - 2.0 * jnp.dot(emb16_ref[...], embT16_ref[...],
                        preferred_element_type=jnp.float32), 0.0)
    p = jnp.exp(-t_ref[0, 0] * ed2)
    u = uT_ref[...]
    gum = -jnp.log(-jnp.log(u + 1e-20) + 1e-20)
    vals[...] = jnp.log(p + 1e-20) + gum
    top_i, top_v = _topk16(vals, colf, True, True)
    topi_ref[...] = top_i
    ex = jnp.exp(top_v - jnp.max(top_v, axis=1, keepdims=True))
    s = ex / jnp.sum(ex, axis=1, keepdims=True)
    sv_ref[...] = s / jnp.max(s, axis=1, keepdims=True)


def _knn_kernel(pos8_ref, posT8_ref, sqp_c_ref, sqp_r_ref,
                knn_ref, vals, colf):
    i = pl.program_id(0)
    rows = i * _BT + lax.broadcasted_iota(jnp.int32, (_BT, 1), 0)
    colid = lax.broadcasted_iota(jnp.int32, (_BT, N), 1)
    colf[...] = colid.astype(jnp.float32)
    d2 = (sqp_c_ref[...] + sqp_r_ref[...]
          - 2.0 * jnp.dot(pos8_ref[...], posT8_ref[...],
                          preferred_element_type=jnp.float32))
    vals[...] = jnp.where(colid == rows, jnp.float32(jnp.inf), d2)
    knn_i, _ = _topk16(vals, colf, False, False)
    knn_ref[...] = knn_i


def _soft_topk(t, emb16, uT):
    sqe = jnp.sum(emb16[:, :EMB] * emb16[:, :EMB], axis=1)
    return pl.pallas_call(
        _soft_kernel,
        grid=(N // _BT,),
        in_specs=[
            pl.BlockSpec((1, 1), lambda i: (0, 0)),
            pl.BlockSpec((_BT, 16), lambda i: (i, 0)),
            pl.BlockSpec((16, N), lambda i: (0, 0)),
            pl.BlockSpec((_BT, 1), lambda i: (i, 0)),
            pl.BlockSpec((1, N), lambda i: (0, 0)),
            pl.BlockSpec((_BT, N), lambda i: (i, 0)),
        ],
        out_specs=[
            pl.BlockSpec((_BT, K), lambda i: (i, 0)),
            pl.BlockSpec((_BT, K), lambda i: (i, 0)),
        ],
        out_shape=[
            jax.ShapeDtypeStruct((N, K), jnp.int32),
            jax.ShapeDtypeStruct((N, K), jnp.float32),
        ],
        scratch_shapes=[pltpu.VMEM((_BT, N), jnp.float32),
                        pltpu.VMEM((_BT, N), jnp.float32)],
    )(t.reshape(1, 1), emb16, emb16.T, sqe.reshape(N, 1), sqe.reshape(1, N), uT)


def _knn_topk(pos):
    pos8 = jnp.zeros((N, 8), jnp.float32).at[:, :3].set(pos)
    sqp = jnp.sum(pos * pos, axis=1)
    return pl.pallas_call(
        _knn_kernel,
        grid=(N // _BT,),
        in_specs=[
            pl.BlockSpec((_BT, 8), lambda i: (i, 0)),
            pl.BlockSpec((8, N), lambda i: (0, 0)),
            pl.BlockSpec((_BT, 1), lambda i: (i, 0)),
            pl.BlockSpec((1, N), lambda i: (0, 0)),
        ],
        out_specs=pl.BlockSpec((_BT, K), lambda i: (i, 0)),
        out_shape=jax.ShapeDtypeStruct((N, K), jnp.int32),
        scratch_shapes=[pltpu.VMEM((_BT, N), jnp.float32),
                        pltpu.VMEM((_BT, N), jnp.float32)],
    )(pos8, pos8.T, sqp.reshape(N, 1), sqp.reshape(1, N))



_BN = 128
_EB = _BN * 2 * K


_EBH = _BN * K


def _att_kernel(gs_ref, gk_ref, p_ref, q_ref, ew_ref,
                wsrc_ref, bsrc_ref, wlin_ref, blin_ref,
                pb1_ref, pW2_ref, pb2_ref, aW1_ref, ab1_ref, aW2_ref, ab2_ref,
                dW_ref, db_ref,
                y_ref, ssum_ref, ssq_ref):
    i = pl.program_id(0)
    C = OUT_C
    P3 = jnp.broadcast_to(p_ref[...][:, None, :], (_BN, K, C)).reshape(_EBH, C)
    Q3 = jnp.broadcast_to(q_ref[...][:, None, :], (_BN, K, C)).reshape(_EBH, C)

    def half(g_ref):
        xg = g_ref[:, :C]
        Pg = g_ref[:, C:]
        Kg = xg @ wsrc_ref[...] + bsrc_ref[...]
        Lg = xg @ wlin_ref[...] + blin_ref[...]
        delta = jax.nn.relu(Pg - P3 + pb1_ref[...]) @ pW2_ref[...] + pb2_ref[...]
        h = jax.nn.relu((Q3 - Kg + delta) @ aW1_ref[...] + ab1_ref[...])
        alpha = h @ aW2_ref[...] + ab2_ref[...]
        return delta, Lg, alpha

    delta_s, Lg_s, alpha_s = half(gs_ref)
    delta_k, Lg_k, alpha_k = half(gk_ref)
    amax = jnp.maximum(jnp.max(alpha_s.reshape(_BN, K, C), axis=1),
                       jnp.max(alpha_k.reshape(_BN, K, C), axis=1))
    amax_rep = jnp.broadcast_to(amax[:, None, :], (_BN, K, C)).reshape(_EBH, C)
    ae_s = jnp.exp(alpha_s - amax_rep) * ew_ref[...]
    ae_k = jnp.exp(alpha_k - amax_rep)
    denom = (jnp.sum(ae_s.reshape(_BN, K, C), axis=1)
             + jnp.sum(ae_k.reshape(_BN, K, C), axis=1))
    msg_s = ae_s * (Lg_s + delta_s)
    msg_k = ae_k * (Lg_k + delta_k)
    out = (jnp.sum(msg_s.reshape(_BN, K, C), axis=1)
           + jnp.sum(msg_k.reshape(_BN, K, C), axis=1)) / (denom + 1e-16)
    y = out @ dW_ref[...] + db_ref[...]
    y_ref[...] = y

    @pl.when(i == 0)
    def _():
        ssum_ref[...] = jnp.zeros_like(ssum_ref)
        ssq_ref[...] = jnp.zeros_like(ssq_ref)

    ssum_ref[...] += jnp.sum(y, axis=0, keepdims=True)
    ssq_ref[...] += jnp.sum(y * y, axis=0, keepdims=True)


def _attention(g_soft, g_knn, U, x_q, sv_flat, params):
    C = OUT_C
    w = lambda: pl.BlockSpec((C, C), lambda i: (0, 0))
    b = lambda: pl.BlockSpec((1, C), lambda i: (0, 0))
    return pl.pallas_call(
        _att_kernel,
        grid=(N // _BN,),
        in_specs=[
            pl.BlockSpec((_EBH, 2 * C), lambda i: (i, 0)),
            pl.BlockSpec((_EBH, 2 * C), lambda i: (i, 0)),
            pl.BlockSpec((_BN, C), lambda i: (i, 1)),
            pl.BlockSpec((_BN, C), lambda i: (i, 0)),
            pl.BlockSpec((_EBH, 1), lambda i: (i, 0)),
            w(), b(), w(), b(),
            b(), w(), b(), w(), b(), w(), b(),
            w(), b(),
        ],
        out_specs=[
            pl.BlockSpec((_BN, C), lambda i: (i, 0)),
            pl.BlockSpec((1, C), lambda i: (0, 0)),
            pl.BlockSpec((1, C), lambda i: (0, 0)),
        ],
        out_shape=[
            jax.ShapeDtypeStruct((N, C), jnp.float32),
            jax.ShapeDtypeStruct((1, C), jnp.float32),
            jax.ShapeDtypeStruct((1, C), jnp.float32),
        ],
    )(g_soft, g_knn, U, x_q, sv_flat,
      params['W_src'], params['b_src'].reshape(1, C),
      params['W_lin'], params['b_lin'].reshape(1, C),
      params['pos_b1'].reshape(1, C), params['pos_W2'], params['pos_b2'].reshape(1, C),
      params['att_W1'], params['att_b1'].reshape(1, C),
      params['att_W2'], params['att_b2'].reshape(1, C),
      params['d_W'], params['d_b'].reshape(1, C))




def _pool_kernel(y_ref, yg_ref, scale_ref, bias_ref, out_ref):
    C = OUT_C
    m = jnp.max(yg_ref[...].reshape(_BN, 2 * K, C), axis=1)
    z = jnp.maximum(y_ref[...], m)
    out_ref[...] = jax.nn.relu(z * scale_ref[...] + bias_ref[...])


def _bn_maxpool(y, yg, scale, bias):
    C = OUT_C
    return pl.pallas_call(
        _pool_kernel,
        grid=(N // _BN,),
        in_specs=[
            pl.BlockSpec((_BN, C), lambda i: (i, 0)),
            pl.BlockSpec((_EB, C), lambda i: (i, 0)),
            pl.BlockSpec((1, C), lambda i: (0, 0)),
            pl.BlockSpec((1, C), lambda i: (0, 0)),
        ],
        out_specs=pl.BlockSpec((_BN, C), lambda i: (i, 0)),
        out_shape=jax.ShapeDtypeStruct((N, C), jnp.float32),
    )(y, yg, scale.reshape(1, C), bias.reshape(1, C))



_BV = 512


def _vox_kernel(vid_ref, y_ref, out_ref):
    v0 = pl.program_id(0) * _BV
    rows = v0 + lax.broadcasted_iota(jnp.int32, (_BV, N), 0)
    oh = (rows == vid_ref[0, :][None, :]).astype(jnp.float32)
    xs = jnp.dot(oh, y_ref[...], preferred_element_type=jnp.float32)
    cnt = jnp.sum(oh, axis=1, keepdims=True)
    out_ref[...] = xs / jnp.maximum(cnt, 1.0)


def _vox_pool(vid, y):
    return pl.pallas_call(
        _vox_kernel,
        grid=(NVOX // _BV,),
        in_specs=[
            pl.BlockSpec((1, N), lambda i: (0, 0)),
            pl.BlockSpec((N, OUT_C), lambda i: (0, 0)),
        ],
        out_specs=pl.BlockSpec((_BV, OUT_C), lambda i: (i, 0)),
        out_shape=jax.ShapeDtypeStruct((NVOX, OUT_C), jnp.float32),
    )(vid.reshape(1, N), y)


@jax.jit
def kernel(x, pos, batch, params):
    n = x.shape[0]
    kr = jax.random.key(42)
    noise = jax.random.uniform(jax.random.fold_in(kr, 0), (n, EMB), jnp.float32) * 0.001
    u = jax.random.uniform(jax.random.fold_in(kr, 1), (n, n), jnp.float32)

    emb16, x_q, U = _precompute(x, pos, noise, params)

    top_i, sv = _soft_topk(params['t'], emb16, u.T)
    g_soft = _sc_gather(U, top_i.reshape(-1))
    knn_i = _knn_topk(pos)
    g_knn = _sc_gather(U, knn_i.reshape(-1))
    src2 = jnp.concatenate([top_i, knn_i], axis=1)

    y, ssum, ssq = _attention(g_soft, g_knn, U, x_q,
                              sv.reshape(N * K, 1), params)

    mu = ssum[0] / n
    var = ssq[0] / n - mu * mu
    scale = params['bn_g'] / jnp.sqrt(var + 1e-5)
    bias = params['bn_b'] - mu * scale
    yg = _sc_gather(y, src2.reshape(-1))
    y = _bn_maxpool(y, yg, scale, bias)
    vox = jnp.clip(jnp.floor((pos + 4.0) / GRID).astype(jnp.int32), 0, GB - 1)
    vid = (vox[:, 0] * GB + vox[:, 1]) * GB + vox[:, 2]
    return _vox_pool(vid, y)

# --- scband reference (transcript-rebuilt; emitter-appended) ---
"""Pipeline reference for scband-enc-block-90452011253831 (READ-ONLY COPY).

The authoritative reference and input builder live on the scoring server;
editing this copy changes nothing except your own understanding.
"""

import jax, jax.numpy as jnp
import numpy as np

N = 4096
K = 16
IN_C = 128
OUT_C = 128
EMB = 10
GRID = 0.5
GB = 16
NVOX = GB * GB * GB


def _mlp2(x, W1, b1, W2, b2):
    return jax.nn.relu(x @ W1 + b1) @ W2 + b2


def _pdist2(a):
    sq = jnp.sum(a * a, axis=1)
    return sq[:, None] + sq[None, :] - 2.0 * (a @ a.T)


def setup_inputs(seed: int = 0):
    key = jax.random.key(seed)
    ks = jax.random.split(key, 16)

    def lin(k, i, o):
        return (jax.random.normal(k, (i, o), jnp.float32) / np.sqrt(i)).astype(jnp.float32)

    z = lambda d: jnp.zeros((d,), jnp.float32)
    params = {
        'g_W1': lin(ks[2], IN_C, IN_C), 'g_b1': z(IN_C),
        'g_W2': lin(ks[3], IN_C, EMB), 'g_b2': z(EMB),
        't': jnp.ones((1,), jnp.float32),
        'pos_W1': lin(ks[4], 3, OUT_C), 'pos_b1': z(OUT_C),
        'pos_W2': lin(ks[5], OUT_C, OUT_C), 'pos_b2': z(OUT_C),
        'att_W1': lin(ks[6], OUT_C, OUT_C), 'att_b1': z(OUT_C),
        'att_W2': lin(ks[7], OUT_C, OUT_C), 'att_b2': z(OUT_C),
        'W_lin': lin(ks[8], IN_C, OUT_C), 'b_lin': z(OUT_C),
        'W_src': lin(ks[9], IN_C, OUT_C), 'b_src': z(OUT_C),
        'W_dst': lin(ks[10], IN_C, OUT_C), 'b_dst': z(OUT_C),
        'd_W': lin(ks[11], OUT_C, OUT_C), 'd_b': z(OUT_C),
        'bn_g': jnp.ones((OUT_C,), jnp.float32), 'bn_b': z(OUT_C),
    }
    x = jax.random.normal(ks[0], (N, IN_C), jnp.float32)
    pos = jax.random.normal(ks[1], (N, 3), jnp.float32)
    batch = jnp.zeros((N,), jnp.int32)
    return {'x': x, 'pos': pos, 'batch': batch, 'params': params}


def _forward(x, pos, params, batch):
    n = x.shape[0]
    idx = jnp.arange(n)
    # --- generate_graph: KNN graph on pos (k=16) ---
    d2 = _pdist2(pos)
    d2 = d2.at[idx, idx].set(jnp.inf)
    _, knn_i = jax.lax.top_k(-d2, K)
    knn_src = knn_i.reshape(-1)
    knn_dst = jnp.repeat(idx, K)
    # --- generate_graph: gumbel top-k soft edges ---
    emb = _mlp2(x, params['g_W1'], params['g_b1'], params['g_W2'], params['g_b2'])
    kr = jax.random.key(42)
    emb = emb + jax.random.uniform(jax.random.fold_in(kr, 0), emb.shape, jnp.float32) * 0.001
    dist2 = jnp.maximum(_pdist2(emb), 0.0)
    p = jnp.exp(-params['t'][0] * dist2)
    u = jax.random.uniform(jax.random.fold_in(kr, 1), p.shape, jnp.float32)
    gumbel = -jnp.log(-jnp.log(u + 1e-20) + 1e-20)
    noisy = jnp.log(p + 1e-20) + gumbel
    # torch.topk(noisy, K, dim=0): top-k rows per column -> transpose then top_k over last axis
    top_v, top_i = jax.lax.top_k(noisy.T, K)
    sv = jax.nn.softmax(top_v, axis=1)
    sv = sv / jnp.max(sv, axis=1, keepdims=True)
    soft_src = top_i.reshape(-1)
    soft_dst = jnp.repeat(idx, K)
    soft_val = sv.reshape(-1)
    src = jnp.concatenate([soft_src, knn_src])
    dst = jnp.concatenate([soft_dst, knn_dst])
    ew = jnp.concatenate([soft_val, jnp.ones((n * K,), jnp.float32)])
    # --- PointTransformerConv (soft-edge weighted) ---
    x_lin = x @ params['W_lin'] + params['b_lin']
    x_q = x @ params['W_dst'] + params['b_dst']
    x_k = x @ params['W_src'] + params['b_src']
    delta = _mlp2(pos[src] - pos[dst], params['pos_W1'], params['pos_b1'], params['pos_W2'], params['pos_b2'])
    alpha = _mlp2(x_q[dst] - x_k[src] + delta, params['att_W1'], params['att_b1'], params['att_W2'], params['att_b2'])
    amax = jax.ops.segment_max(alpha, dst, num_segments=n)
    ae = jnp.exp(alpha - amax[dst]) * ew[:, None]
    denom = jax.ops.segment_sum(ae, dst, num_segments=n)
    msg = ae * (x_lin[src] + delta)
    out = jax.ops.segment_sum(msg, dst, num_segments=n) / (denom + 1e-16)
    # --- down layer: linear + batchnorm + relu ---
    y = out @ params['d_W'] + params['d_b']
    mu = jnp.mean(y, axis=0)
    var = jnp.var(y, axis=0)
    y = (y - mu) / jnp.sqrt(var + 1e-5) * params['bn_g'] + params['bn_b']
    y = jax.nn.relu(y)
    # --- max_pool_neighbor_x ---
    nb = jax.ops.segment_max(y[src], dst, num_segments=n)
    y = jnp.maximum(y, nb)
    # --- grid sampling (fixed 16^3 voxel grid, mean pool) ---
    vox = jnp.clip(jnp.floor((pos + 4.0) / GRID).astype(jnp.int32), 0, GB - 1)
    vid = (vox[:, 0] * GB + vox[:, 1]) * GB + vox[:, 2]
    cnt = jax.ops.segment_sum(jnp.ones((n,), jnp.float32), vid, num_segments=NVOX)
    xs = jax.ops.segment_sum(y, vid, num_segments=NVOX)
    return xs / jnp.maximum(cnt, 1.0)[:, None]


def reference(x, pos, batch, params):
    return _forward(x, pos, params, batch)

if __name__ == "__main__":
    import jax
    _d = setup_inputs()
    print(jax.jit(kernel)(*tuple(_d.values())))

</pallas_src>

<mosaic_0001>
#map = affine_map<(d0, d1) -> (0, 0)>
#map1 = affine_map<(d0, d1) -> (0)>
module attributes {stable_mosaic.version = 14 : i64} {
  func.func @k(%arg0: i32, %arg1: i32, %arg2: memref<4096x256xf32, #tpu.memory_space<hbm>>, %arg3: memref<65536xi32, #tpu.memory_space<hbm>>, %arg4: memref<65536x256xf32, #tpu.memory_space<hbm>>, %arg5: memref<128xi32, #tpu.memory_space<vmem>>, %arg6: memref<128x256xf32, #tpu.memory_space<vmem>>, %arg7: memref<!tpu.dma_semaphore, #tpu.memory_space<semaphore_mem>>) attributes {dimension_semantics = [#tpu.dimension_semantics<core_parallel>, #tpu.dimension_semantics<subcore_parallel>], iteration_bounds = array<i64: 2, 16>, scalar_prefetch = 0 : i64, scratch_operands = 3 : i64, tpu.core_type = #tpu.core_type<sc_vector_subcore>, window_params = [{transform_indices = #map}, {transform_indices = #map1}, {transform_indices = #map}]} {
    %mul3A = arith.constant 2 : i32
    %mul3A_0 = arith.muli %arg1, %mul3A : i32
    %add3A = arith.addi %mul3A_0, %arg0 : i32
    %mul3A_1 = arith.constant 2048 : i32
    %mul3A_2 = arith.muli %add3A, %mul3A_1 : i32
    %scan3A = arith.constant 0 : i32
    %scan3A_3 = arith.constant 0 : i32
    %scan3A_4 = arith.constant 16 : i32
    %scan3A_5 = arith.addi %scan3A_3, %scan3A_4 : i32
    %scan3A_6 = arith.constant 1 : i32
    scf.for %scan3A_8 = %scan3A_3 to %scan3A_5 step %scan3A_6  : i32 {
      %mul3A_9 = arith.constant 128 : i32
      %mul3A_10 = arith.muli %scan3A_8, %mul3A_9 : i32
      %add3A_11 = arith.addi %mul3A_2, %mul3A_10 : i32
      "tpu.region"() ({
        %run_scoped3A = tpu.sem_alloc : memref<!tpu.dma_semaphore, #tpu.memory_space<semaphore_mem>>
        %dma_start3A_16 = tpu.memref_slice %arg3[%add3A_11] : memref<65536xi32, #tpu.memory_space<hbm>> -> memref<128xi32, #tpu.memory_space<hbm>>
        %dma_start3A_17 = tpu.memref_slice %arg3[%add3A_11] : memref<65536xi32, #tpu.memory_space<hbm>> -> memref<128xi32, #tpu.memory_space<hbm>>
        tpu.enqueue_dma source(%dma_start3A_17 : memref<128xi32, #tpu.memory_space<hbm>>) target(%arg5 : memref<128xi32, #tpu.memory_space<vmem>>) target_semaphore(%run_scoped3A : memref<!tpu.dma_semaphore, #tpu.memory_space<semaphore_mem>>)
        %dma_wait3A_18 = tpu.memref_slice %arg3[%add3A_11] : memref<65536xi32, #tpu.memory_space<hbm>> -> memref<128xi32, #tpu.memory_space<hbm>>
        %dma_wait3A_19 = tpu.memref_slice %arg3[%add3A_11] : memref<65536xi32, #tpu.memory_space<hbm>> -> memref<128xi32, #tpu.memory_space<hbm>>
        tpu.wait_dma2 semaphore(%run_scoped3A : memref<!tpu.dma_semaphore, #tpu.memory_space<semaphore_mem>>) src(%dma_wait3A_19 : memref<128xi32, #tpu.memory_space<hbm>>) dst(%arg5 : memref<128xi32, #tpu.memory_space<vmem>>)
        tpu.yield
      }) : () -> ()
      %dma_start3A = arith.constant 0 : i32
      %dma_start3A_12 = arith.constant 0 : i32
      %dma_start3A_13 = tpu.memref_slice %arg2[%dma_start3A, %dma_start3A_12] : memref<4096x256xf32, #tpu.memory_space<hbm>> -> memref<4096x256xf32, #tpu.memory_space<hbm>>
      tpu.enqueue_indirect_dma source(%dma_start3A_13 : memref<4096x256xf32, #tpu.memory_space<hbm>>) target(%arg6 : memref<128x256xf32, #tpu.memory_space<vmem>>) offsets(%arg5 : memref<128xi32, #tpu.memory_space<vmem>>) semaphore(%arg7 : memref<!tpu.dma_semaphore, #tpu.memory_space<semaphore_mem>>)
      %dma_wait3A = arith.constant 0 : i32
      %dma_wait3A_14 = arith.constant 0 : i32
      %dma_wait3A_15 = tpu.memref_slice %arg2[%dma_wait3A, %dma_wait3A_14] : memref<4096x256xf32, #tpu.memory_space<hbm>> -> memref<4096x256xf32, #tpu.memory_space<hbm>>
      tpu.wait_indirect_dma semaphore(%arg7 : memref<!tpu.dma_semaphore, #tpu.memory_space<semaphore_mem>>) src(%dma_wait3A_15 : memref<4096x256xf32, #tpu.memory_space<hbm>>) dst(%arg6 : memref<128x256xf32, #tpu.memory_space<vmem>>)
      "tpu.region"() ({
        %run_scoped3A = tpu.sem_alloc : memref<!tpu.dma_semaphore, #tpu.memory_space<semaphore_mem>>
        %dma_start3A_16 = arith.constant 0 : i32
        %dma_start3A_17 = tpu.memref_slice %arg4[%add3A_11, %dma_start3A_16] : memref<65536x256xf32, #tpu.memory_space<hbm>> -> memref<128x256xf32, #tpu.memory_space<hbm>>
        %dma_start3A_18 = arith.constant 0 : i32
        %dma_start3A_19 = tpu.memref_slice %arg4[%add3A_11, %dma_start3A_18] : memref<65536x256xf32, #tpu.memory_space<hbm>> -> memref<128x256xf32, #tpu.memory_space<hbm>>
        tpu.enqueue_dma source(%arg6 : memref<128x256xf32, #tpu.memory_space<vmem>>) target(%dma_start3A_19 : memref<128x256xf32, #tpu.memory_space<hbm>>) target_semaphore(%run_scoped3A : memref<!tpu.dma_semaphore, #tpu.memory_space<semaphore_mem>>)
        %dma_wait3A_20 = arith.constant 0 : i32
        %dma_wait3A_21 = tpu.memref_slice %arg4[%add3A_11, %dma_wait3A_20] : memref<65536x256xf32, #tpu.memory_space<hbm>> -> memref<128x256xf32, #tpu.memory_space<hbm>>
        %dma_wait3A_22 = arith.constant 0 : i32
        %dma_wait3A_23 = tpu.memref_slice %arg4[%add3A_11, %dma_wait3A_22] : memref<65536x256xf32, #tpu.memory_space<hbm>> -> memref<128x256xf32, #tpu.memory_space<hbm>>
        tpu.wait_dma2 semaphore(%run_scoped3A : memref<!tpu.dma_semaphore, #tpu.memory_space<semaphore_mem>>) src(%arg6 : memref<128x256xf32, #tpu.memory_space<vmem>>) dst(%dma_wait3A_23 : memref<128x256xf32, #tpu.memory_space<hbm>>)
        tpu.yield
      }) : () -> ()
    }
    %scan3A_7 = arith.constant 16 : i32
    return
  }
}

#map = affine_map<(d0, d1) -> (0, 0)>
#map1 = affine_map<(d0, d1) -> (0)>
module attributes {stable_mosaic.version = 14 : i64} {
  func.func @k(%arg0: i32, %arg1: i32, %arg2: memref<4096x256xf32, #tpu.memory_space<hbm>>, %arg3: memref<65536xi32, #tpu.memory_space<hbm>>, %arg4: memref<65536x256xf32, #tpu.memory_space<hbm>>, %arg5: memref<128xi32, #tpu.memory_space<vmem>>, %arg6: memref<128x256xf32, #tpu.memory_space<vmem>>, %arg7: memref<!tpu.dma_semaphore, #tpu.memory_space<semaphore_mem>>) attributes {dimension_semantics = [#tpu.dimension_semantics<core_parallel>, #tpu.dimension_semantics<subcore_parallel>], iteration_bounds = array<i64: 2, 16>, scalar_prefetch = 0 : i64, scratch_operands = 3 : i64, tpu.core_type = #tpu.core_type<sc_vector_subcore>, window_params = [{transform_indices = #map}, {transform_indices = #map1}, {transform_indices = #map}]} {
    %mul3A = arith.constant 2 : i32
    %mul3A_0 = arith.muli %arg1, %mul3A : i32
    %add3A = arith.addi %mul3A_0, %arg0 : i32
    %mul3A_1 = arith.constant 2048 : i32
    %mul3A_2 = arith.muli %add3A, %mul3A_1 : i32
    %scan3A = arith.constant 0 : i32
    %scan3A_3 = arith.constant 0 : i32
    %scan3A_4 = arith.constant 16 : i32
    %scan3A_5 = arith.addi %scan3A_3, %scan3A_4 : i32
    %scan3A_6 = arith.constant 1 : i32
    scf.for %scan3A_8 = %scan3A_3 to %scan3A_5 step %scan3A_6  : i32 {
      %mul3A_9 = arith.constant 128 : i32
      %mul3A_10 = arith.muli %scan3A_8, %mul3A_9 : i32
      %add3A_11 = arith.addi %mul3A_2, %mul3A_10 : i32
      "tpu.region"() ({
        %run_scoped3A = tpu.sem_alloc : memref<!tpu.dma_semaphore, #tpu.memory_space<semaphore_mem>>
        %dma_start3A_16 = tpu.memref_slice %arg3[%add3A_11] : memref<65536xi32, #tpu.memory_space<hbm>> -> memref<128xi32, #tpu.memory_space<hbm>>
        %dma_start3A_17 = tpu.memref_slice %arg3[%add3A_11] : memref<65536xi32, #tpu.memory_space<hbm>> -> memref<128xi32, #tpu.memory_space<hbm>>
        tpu.enqueue_dma source(%dma_start3A_17 : memref<128xi32, #tpu.memory_space<hbm>>) target(%arg5 : memref<128xi32, #tpu.memory_space<vmem>>) target_semaphore(%run_scoped3A : memref<!tpu.dma_semaphore, #tpu.memory_space<semaphore_mem>>)
        %dma_wait3A_18 = tpu.memref_slice %arg3[%add3A_11] : memref<65536xi32, #tpu.memory_space<hbm>> -> memref<128xi32, #tpu.memory_space<hbm>>
        %dma_wait3A_19 = tpu.memref_slice %arg3[%add3A_11] : memref<65536xi32, #tpu.memory_space<hbm>> -> memref<128xi32, #tpu.memory_space<hbm>>
        tpu.wait_dma2 semaphore(%run_scoped3A : memref<!tpu.dma_semaphore, #tpu.memory_space<semaphore_mem>>) src(%dma_wait3A_19 : memref<128xi32, #tpu.memory_space<hbm>>) dst(%arg5 : memref<128xi32, #tpu.memory_space<vmem>>)
        tpu.yield
      }) : () -> ()
      %dma_start3A = arith.constant 0 : i32
      %dma_start3A_12 = arith.constant 0 : i32
      %dma_start3A_13 = tpu.memref_slice %arg2[%dma_start3A, %dma_start3A_12] : memref<4096x256xf32, #tpu.memory_space<hbm>> -> memref<4096x256xf32, #tpu.memory_space<hbm>>
      tpu.enqueue_indirect_dma source(%dma_start3A_13 : memref<4096x256xf32, #tpu.memory_space<hbm>>) target(%arg6 : memref<128x256xf32, #tpu.memory_space<vmem>>) offsets(%arg5 : memref<128xi32, #tpu.memory_space<vmem>>) semaphore(%arg7 : memref<!tpu.dma_semaphore, #tpu.memory_space<semaphore_mem>>)
      %dma_wait3A = arith.constant 0 : i32
      %dma_wait3A_14 = arith.constant 0 : i32
      %dma_wait3A_15 = tpu.memref_slice %arg2[%dma_wait3A, %dma_wait3A_14] : memref<4096x256xf32, #tpu.memory_space<hbm>> -> memref<4096x256xf32, #tpu.memory_space<hbm>>
      tpu.wait_indirect_dma semaphore(%arg7 : memref<!tpu.dma_semaphore, #tpu.memory_space<semaphore_mem>>) src(%dma_wait3A_15 : memref<4096x256xf32, #tpu.memory_space<hbm>>) dst(%arg6 : memref<128x256xf32, #tpu.memory_space<vmem>>)
      "tpu.region"() ({
        %run_scoped3A = tpu.sem_alloc : memref<!tpu.dma_semaphore, #tpu.memory_space<semaphore_mem>>
        %dma_start3A_16 = arith.constant 0 : i32
        %dma_start3A_17 = tpu.memref_slice %arg4[%add3A_11, %dma_start3A_16] : memref<65536x256xf32, #tpu.memory_space<hbm>> -> memref<128x256xf32, #tpu.memory_space<hbm>>
        %dma_start3A_18 = arith.constant 0 : i32
        %dma_start3A_19 = tpu.memref_slice %arg4[%add3A_11, %dma_start3A_18] : memref<65536x256xf32, #tpu.memory_space<hbm>> -> memref<128x256xf32, #tpu.memory_space<hbm>>
        tpu.enqueue_dma source(%arg6 : memref<128x256xf32, #tpu.memory_space<vmem>>) target(%dma_start3A_19 : memref<128x256xf32, #tpu.memory_space<hbm>>) target_semaphore(%run_scoped3A : memref<!tpu.dma_semaphore, #tpu.memory_space<semaphore_mem>>)
        %dma_wait3A_20 = arith.constant 0 : i32
        %dma_wait3A_21 = tpu.memref_slice %arg4[%add3A_11, %dma_wait3A_20] : memref<65536x256xf32, #tpu.memory_space<hbm>> -> memref<128x256xf32, #tpu.memory_space<hbm>>
        %dma_wait3A_22 = arith.constant 0 : i32
        %dma_wait3A_23 = tpu.memref_slice %arg4[%add3A_11, %dma_wait3A_22] : memref<65536x256xf32, #tpu.memory_space<hbm>> -> memref<128x256xf32, #tpu.memory_space<hbm>>
        tpu.wait_dma2 semaphore(%run_scoped3A : memref<!tpu.dma_semaphore, #tpu.memory_space<semaphore_mem>>) src(%arg6 : memref<128x256xf32, #tpu.memory_space<vmem>>) dst(%dma_wait3A_23 : memref<128x256xf32, #tpu.memory_space<hbm>>)
        tpu.yield
      }) : () -> ()
    }
    %scan3A_7 = arith.constant 16 : i32
    return
  }
}

#map = affine_map<(d0, d1) -> (0, 0)>
#map1 = affine_map<(d0, d1) -> (0)>
module attributes {stable_mosaic.version = 14 : i64} {
  func.func @k(%arg0: i32, %arg1: i32, %arg2: memref<4096x128xf32, #tpu.memory_space<hbm>>, %arg3: memref<131072xi32, #tpu.memory_space<hbm>>, %arg4: memref<131072x128xf32, #tpu.memory_space<hbm>>, %arg5: memref<128xi32, #tpu.memory_space<vmem>>, %arg6: memref<128x128xf32, #tpu.memory_space<vmem>>, %arg7: memref<!tpu.dma_semaphore, #tpu.memory_space<semaphore_mem>>) attributes {dimension_semantics = [#tpu.dimension_semantics<core_parallel>, #tpu.dimension_semantics<subcore_parallel>], iteration_bounds = array<i64: 2, 16>, scalar_prefetch = 0 : i64, scratch_operands = 3 : i64, tpu.core_type = #tpu.core_type<sc_vector_subcore>, window_params = [{transform_indices = #map}, {transform_indices = #map1}, {transform_indices = #map}]} {
    %mul3A = arith.constant 2 : i32
    %mul3A_0 = arith.muli %arg1, %mul3A : i32
    %add3A = arith.addi %mul3A_0, %arg0 : i32
    %mul3A_1 = arith.constant 4096 : i32
    %mul3A_2 = arith.muli %add3A, %mul3A_1 : i32
    %scan3A = arith.constant 0 : i32
    %scan3A_3 = arith.constant 0 : i32
    %scan3A_4 = arith.constant 32 : i32
    %scan3A_5 = arith.addi %scan3A_3, %scan3A_4 : i32
    %scan3A_6 = arith.constant 1 : i32
    scf.for %scan3A_8 = %scan3A_3 to %scan3A_5 step %scan3A_6  : i32 {
      %mul3A_9 = arith.constant 128 : i32
      %mul3A_10 = arith.muli %scan3A_8, %mul3A_9 : i32
      %add3A_11 = arith.addi %mul3A_2, %mul3A_10 : i32
      "tpu.region"() ({
        %run_scoped3A = tpu.sem_alloc : memref<!tpu.dma_semaphore, #tpu.memory_space<semaphore_mem>>
        %dma_start3A_16 = tpu.memref_slice %arg3[%add3A_11] : memref<131072xi32, #tpu.memory_space<hbm>> -> memref<128xi32, #tpu.memory_space<hbm>>
        %dma_start3A_17 = tpu.memref_slice %arg3[%add3A_11] : memref<131072xi32, #tpu.memory_space<hbm>> -> memref<128xi32, #tpu.memory_space<hbm>>
        tpu.enqueue_dma source(%dma_start3A_17 : memref<128xi32, #tpu.memory_space<hbm>>) target(%arg5 : memref<128xi32, #tpu.memory_space<vmem>>) target_semaphore(%run_scoped3A : memref<!tpu.dma_semaphore, #tpu.memory_space<semaphore_mem>>)
        %dma_wait3A_18 = tpu.memref_slice %arg3[%add3A_11] : memref<131072xi32, #tpu.memory_space<hbm>> -> memref<128xi32, #tpu.memory_space<hbm>>
        %dma_wait3A_19 = tpu.memref_slice %arg3[%add3A_11] : memref<131072xi32, #tpu.memory_space<hbm>> -> memref<128xi32, #tpu.memory_space<hbm>>
        tpu.wait_dma2 semaphore(%run_scoped3A : memref<!tpu.dma_semaphore, #tpu.memory_space<semaphore_mem>>) src(%dma_wait3A_19 : memref<128xi32, #tpu.memory_space<hbm>>) dst(%arg5 : memref<128xi32, #tpu.memory_space<vmem>>)
        tpu.yield
      }) : () -> ()
      %dma_start3A = arith.constant 0 : i32
      %dma_start3A_12 = arith.constant 0 : i32
      %dma_start3A_13 = tpu.memref_slice %arg2[%dma_start3A, %dma_start3A_12] : memref<4096x128xf32, #tpu.memory_space<hbm>> -> memref<4096x128xf32, #tpu.memory_space<hbm>>
      tpu.enqueue_indirect_dma source(%dma_start3A_13 : memref<4096x128xf32, #tpu.memory_space<hbm>>) target(%arg6 : memref<128x128xf32, #tpu.memory_space<vmem>>) offsets(%arg5 : memref<128xi32, #tpu.memory_space<vmem>>) semaphore(%arg7 : memref<!tpu.dma_semaphore, #tpu.memory_space<semaphore_mem>>)
      %dma_wait3A = arith.constant 0 : i32
      %dma_wait3A_14 = arith.constant 0 : i32
      %dma_wait3A_15 = tpu.memref_slice %arg2[%dma_wait3A, %dma_wait3A_14] : memref<4096x128xf32, #tpu.memory_space<hbm>> -> memref<4096x128xf32, #tpu.memory_space<hbm>>
      tpu.wait_indirect_dma semaphore(%arg7 : memref<!tpu.dma_semaphore, #tpu.memory_space<semaphore_mem>>) src(%dma_wait3A_15 : memref<4096x128xf32, #tpu.memory_space<hbm>>) dst(%arg6 : memref<128x128xf32, #tpu.memory_space<vmem>>)
      "tpu.region"() ({
        %run_scoped3A = tpu.sem_alloc : memref<!tpu.dma_semaphore, #tpu.memory_space<semaphore_mem>>
        %dma_start3A_16 = arith.constant 0 : i32
        %dma_start3A_17 = tpu.memref_slice %arg4[%add3A_11, %dma_start3A_16] : memref<131072x128xf32, #tpu.memory_space<hbm>> -> memref<128x128xf32, #tpu.memory_space<hbm>>
        %dma_start3A_18 = arith.constant 0 : i32
        %dma_start3A_19 = tpu.memref_slice %arg4[%add3A_11, %dma_start3A_18] : memref<131072x128xf32, #tpu.memory_space<hbm>> -> memref<128x128xf32, #tpu.memory_space<hbm>>
        tpu.enqueue_dma source(%arg6 : memref<128x128xf32, #tpu.memory_space<vmem>>) target(%dma_start3A_19 : memref<128x128xf32, #tpu.memory_space<hbm>>) target_semaphore(%run_scoped3A : memref<!tpu.dma_semaphore, #tpu.memory_space<semaphore_mem>>)
        %dma_wait3A_20 = arith.constant 0 : i32
        %dma_wait3A_21 = tpu.memref_slice %arg4[%add3A_11, %dma_wait3A_20] : memref<131072x128xf32, #tpu.memory_space<hbm>> -> memref<128x128xf32, #tpu.memory_space<hbm>>
        %dma_wait3A_22 = arith.constant 0 : i32
        %dma_wait3A_23 = tpu.memref_slice %arg4[%add3A_11, %dma_wait3A_22] : memref<131072x128xf32, #tpu.memory_space<hbm>> -> memref<128x128xf32, #tpu.memory_space<hbm>>
        tpu.wait_dma2 semaphore(%run_scoped3A : memref<!tpu.dma_semaphore, #tpu.memory_space<semaphore_mem>>) src(%arg6 : memref<128x128xf32, #tpu.memory_space<vmem>>) dst(%dma_wait3A_23 : memref<128x128xf32, #tpu.memory_space<hbm>>)
        tpu.yield
      }) : () -> ()
    }
    %scan3A_7 = arith.constant 32 : i32
    return
  }
}

module attributes {stable_mosaic.version = 14 : i64} {
  func.func @_pre_kernel(%arg0: i32, %arg1: memref<512x128xf32, #tpu.memory_space<vmem>>, %arg2: memref<512x8xf32, #tpu.memory_space<vmem>>, %arg3: memref<512x16xf32, #tpu.memory_space<vmem>>, %arg4: memref<128x128xf32, #tpu.memory_space<vmem>>, %arg5: memref<1x128xf32, #tpu.memory_space<vmem>>, %arg6: memref<128x16xf32, #tpu.memory_space<vmem>>, %arg7: memref<1x16xf32, #tpu.memory_space<vmem>>, %arg8: memref<128x128xf32, #tpu.memory_space<vmem>>, %arg9: memref<1x128xf32, #tpu.memory_space<vmem>>, %arg10: memref<8x128xf32, #tpu.memory_space<vmem>>, %arg11: memref<512x16xf32, #tpu.memory_space<vmem>>, %arg12: memref<512x128xf32, #tpu.memory_space<vmem>>, %arg13: memref<512x256xf32, #tpu.memory_space<vmem>>) attributes {dimension_semantics = [#tpu.dimension_semantics<arbitrary>], iteration_bounds = array<i64: 8>, scalar_prefetch = 0 : i64, scratch_operands = 0 : i64, tpu.core_type = #tpu.core_type<tc>, window_params = [{transform_indices = @transform_0, window_bounds = array<i64: 512, 128>}, {transform_indices = @transform_1, window_bounds = array<i64: 512, 8>}, {transform_indices = @transform_2, window_bounds = array<i64: 512, 16>}, {pipeline_mode = #tpu.pipeline_mode<synchronous>, transform_indices = @transform_3, window_bounds = array<i64: 128, 128>}, {pipeline_mode = #tpu.pipeline_mode<synchronous>, transform_indices = @transform_4, window_bounds = array<i64: 1, 128>}, {pipeline_mode = #tpu.pipeline_mode<synchronous>, transform_indices = @transform_5, window_bounds = array<i64: 128, 16>}, {pipeline_mode = #tpu.pipeline_mode<synchronous>, transform_indices = @transform_6, window_bounds = array<i64: 1, 16>}, {pipeline_mode = #tpu.pipeline_mode<synchronous>, transform_indices = @transform_7, window_bounds = array<i64: 128, 128>}, {pipeline_mode = #tpu.pipeline_mode<synchronous>, transform_indices = @transform_8, window_bounds = array<i64: 1, 128>}, {pipeline_mode = #tpu.pipeline_mode<synchronous>, transform_indices = @transform_9, window_bounds = array<i64: 8, 128>}, {transform_indices = @transform_10, window_bounds = array<i64: 512, 16>}, {transform_indices = @transform_11, window_bounds = array<i64: 512, 128>}, {transform_indices = @transform_12, window_bounds = array<i64: 512, 256>}]} {
    %get3A = arith.constant 0 : index
    %get3A_0 = arith.constant 0 : index
    %get3A_1 = vector.load %arg1[%get3A, %get3A_0] : memref<512x128xf32, #tpu.memory_space<vmem>>, vector<512x128xf32>
    %get3A_2 = arith.constant 0 : index
    %get3A_3 = arith.constant 0 : index
    %get3A_4 = vector.load %arg4[%get3A_2, %get3A_3] : memref<128x128xf32, #tpu.memory_space<vmem>>, vector<128x128xf32>
    %dot_general3A = arith.constant dense<0.000000e+00> : vector<512x128xf32>
    %dot_general3A_5 = tpu.matmul %get3A_1, %get3A_4, %dot_general3A {dimension_numbers = #tpu.dot_dimension_numbers<[1], [0], [0], [1], [0, 0, 1, 1], [], []>, transpose_lhs_hint = false} : vector<512x128xf32>, vector<128x128xf32>, vector<512x128xf32> -> vector<512x128xf32>
    %get3A_6 = arith.constant 0 : index
    %get3A_7 = arith.constant 0 : index
    %get3A_8 = vector.load %arg5[%get3A_6, %get3A_7] : memref<1x128xf32, #tpu.memory_space<vmem>>, vector<1x128xf32>
    %add3A = vector.broadcast %get3A_8 : vector<1x128xf32> to vector<512x128xf32>
    %add3A_9 = arith.addf %dot_general3A_5, %add3A : vector<512x128xf32>
    %max3A = arith.constant 0.000000e+00 : f32
    %max3A_10 = vector.broadcast %max3A : f32 to vector<512x128xf32>
    %max3A_11 = arith.maximumf %add3A_9, %max3A_10 : vector<512x128xf32>
    %get3A_12 = arith.constant 0 : index
    %get3A_13 = arith.constant 0 : index
    %get3A_14 = vector.load %arg6[%get3A_12, %get3A_13] : memref<128x16xf32, #tpu.memory_space<vmem>>, vector<128x16xf32>
    %dot_general3A_15 = arith.constant dense<0.000000e+00> : vector<512x16xf32>
    %dot_general3A_16 = tpu.matmul %max3A_11, %get3A_14, %dot_general3A_15 {dimension_numbers = #tpu.dot_dimension_numbers<[1], [0], [0], [1], [0, 0, 1, 1], [], []>, transpose_lhs_hint = false} : vector<512x128xf32>, vector<128x16xf32>, vector<512x16xf32> -> vector<512x16xf32>
    %get3A_17 = arith.constant 0 : index
    %get3A_18 = arith.constant 0 : index
    %get3A_19 = vector.load %arg7[%get3A_17, %get3A_18] : memref<1x16xf32, #tpu.memory_space<vmem>>, vector<1x16xf32>
    %add3A_20 = vector.broadcast %get3A_19 : vector<1x16xf32> to vector<512x16xf32>
    %add3A_21 = arith.addf %dot_general3A_16, %add3A_20 : vector<512x16xf32>
    %get3A_22 = arith.constant 0 : index
    %get3A_23 = arith.constant 0 : index
    %get3A_24 = vector.load %arg3[%get3A_22, %get3A_23] : memref<512x16xf32, #tpu.memory_space<vmem>>, vector<512x16xf32>
    %add3A_25 = arith.addf %add3A_21, %get3A_24 : vector<512x16xf32>
    %swap3A = arith.constant 0 : index
    %swap3A_26 = arith.constant 0 : index
    %swap3A_27 = vector.load %arg11[%swap3A, %swap3A_26] : memref<512x16xf32, #tpu.memory_space<vmem>>, vector<512x16xf32>
    tpu.vector_store %arg11[%swap3A, %swap3A_26], %add3A_25 {strides = array<i32>} : memref<512x16xf32, #tpu.memory_space<vmem>>, vector<512x16xf32>,
    %get3A_28 = arith.constant 0 : index
    %get3A_29 = arith.constant 0 : index
    %get3A_30 = vector.load %arg8[%get3A_28, %get3A_29] : memref<128x128xf32, #tpu.memory_space<vmem>>, vector<128x128xf32>
    %dot_general3A_31 = arith.constant dense<0.000000e+00> : vector<512x128xf32>
    %dot_general3A_32 = tpu.matmul %get3A_1, %get3A_30, %dot_general3A_31 {dimension_numbers = #tpu.dot_dimension_numbers<[1], [0], [0], [1], [0, 0, 1, 1], [], []>, transpose_lhs_hint = false} : vector<512x128xf32>, vector<128x128xf32>, vector<512x128xf32> -> vector<512x128xf32>
    %get3A_33 = arith.constant 0 : index
    %get3A_34 = arith.constant 0 : index
    %get3A_35 = vector.load %arg9[%get3A_33, %get3A_34] : memref<1x128xf32, #tpu.memory_space<vmem>>, vector<1x128xf32>
    %add3A_36 = vector.broadcast %get3A_35 : vector<1x128xf32> to vector<512x128xf32>
    %add3A_37 = arith.addf %dot_general3A_32, %add3A_36 : vector<512x128xf32>
    %swap3A_38 = arith.constant 0 : index
    %swap3A_39 = arith.constant 0 : index
    %swap3A_40 = vector.load %arg12[%swap3A_38, %swap3A_39] : memref<512x128xf32, #tpu.memory_space<vmem>>, vector<512x128xf32>
    tpu.vector_store %arg12[%swap3A_38, %swap3A_39], %add3A_37 {strides = array<i32>} : memref<512x128xf32, #tpu.memory_space<vmem>>, vector<512x128xf32>,
    %swap3A_41 = arith.constant 0 : index
    %swap3A_42 = arith.constant 0 : index
    %swap3A_43 = vector.load %arg13[%swap3A_41, %swap3A_42] : memref<512x256xf32, #tpu.memory_space<vmem>>, vector<512x128xf32>
    tpu.vector_store %arg13[%swap3A_41, %swap3A_42], %get3A_1 {strides = array<i32>} : memref<512x256xf32, #tpu.memory_space<vmem>>, vector<512x128xf32>,
    %get3A_44 = arith.constant 0 : index
    %get3A_45 = arith.constant 0 : index
    %get3A_46 = vector.load %arg2[%get3A_44, %get3A_45] : memref<512x8xf32, #tpu.memory_space<vmem>>, vector<512x8xf32>
    %get3A_47 = arith.constant 0 : index
    %get3A_48 = arith.constant 0 : index
    %get3A_49 = vector.load %arg10[%get3A_47, %get3A_48] : memref<8x128xf32, #tpu.memory_space<vmem>>, vector<8x128xf32>
    %dot_general3A_50 = arith.constant dense<0.000000e+00> : vector<512x128xf32>
    %dot_general3A_51 = tpu.matmul %get3A_46, %get3A_49, %dot_general3A_50 {dimension_numbers = #tpu.dot_dimension_numbers<[1], [0], [0], [1], [0, 0, 1, 1], [], []>, transpose_lhs_hint = false} : vector<512x8xf32>, vector<8x128xf32>, vector<512x128xf32> -> vector<512x128xf32>
    %swap3A_52 = arith.constant 0 : index
    %swap3A_53 = arith.constant 128 : index
    %swap3A_54 = vector.load %arg13[%swap3A_52, %swap3A_53] : memref<512x256xf32, #tpu.memory_space<vmem>>, vector<512x128xf32>
    tpu.vector_store %arg13[%swap3A_52, %swap3A_53], %dot_general3A_51 {strides = array<i32>} : memref<512x256xf32, #tpu.memory_space<vmem>>, vector<512x128xf32>,
    return
  }
  func.func @transform_0(%arg0: i32) -> (i32, i32) {
    %c0_i32 = arith.constant 0 : i32
    %c0_i32_0 = arith.constant 0 : i32
    return %arg0, %c0_i32 : i32, i32
  }
  func.func @transform_1(%arg0: i32) -> (i32, i32) {
    %c0_i32 = arith.constant 0 : i32
    %c0_i32_0 = arith.constant 0 : i32
    return %arg0, %c0_i32 : i32, i32
  }
  func.func @transform_2(%arg0: i32) -> (i32, i32) {
    %c0_i32 = arith.constant 0 : i32
    %c0_i32_0 = arith.constant 0 : i32
    return %arg0, %c0_i32 : i32, i32
  }
  func.func @transform_3(%arg0: i32) -> (i32, i32) {
    %c0_i32 = arith.constant 0 : i32
    %c0_i32_0 = arith.constant 0 : i32
    %c0_i32_1 = arith.constant 0 : i32
    return %c0_i32, %c0_i32_0 : i32, i32
  }
  func.func @transform_4(%arg0: i32) -> (i32, i32) {
    %c0_i32 = arith.constant 0 : i32
    %c0_i32_0 = arith.constant 0 : i32
    %c0_i32_1 = arith.constant 0 : i32
    return %c0_i32, %c0_i32_0 : i32, i32
  }
  func.func @transform_5(%arg0: i32) -> (i32, i32) {
    %c0_i32 = arith.constant 0 : i32
    %c0_i32_0 = arith.constant 0 : i32
    %c0_i32_1 = arith.constant 0 : i32
    return %c0_i32, %c0_i32_0 : i32, i32
  }
  func.func @transform_6(%arg0: i32) -> (i32, i32) {
    %c0_i32 = arith.constant 0 : i32
    %c0_i32_0 = arith.constant 0 : i32
    %c0_i32_1 = arith.constant 0 : i32
    return %c0_i32, %c0_i32_0 : i32, i32
  }
  func.func @transform_7(%arg0: i32) -> (i32, i32) {
    %c0_i32 = arith.constant 0 : i32
    %c0_i32_0 = arith.constant 0 : i32
    %c0_i32_1 = arith.constant 0 : i32
    return %c0_i32, %c0_i32_0 : i32, i32
  }
  func.func @transform_8(%arg0: i32) -> (i32, i32) {
    %c0_i32 = arith.constant 0 : i32
    %c0_i32_0 = arith.constant 0 : i32
    %c0_i32_1 = arith.constant 0 : i32
    return %c0_i32, %c0_i32_0 : i32, i32
  }
  func.func @transform_9(%arg0: i32) -> (i32, i32) {
    %c0_i32 = arith.constant 0 : i32
    %c0_i32_0 = arith.constant 0 : i32
    %c0_i32_1 = arith.constant 0 : i32
    return %c0_i32, %c0_i32_0 : i32, i32
  }
  func.func @transform_10(%arg0: i32) -> (i32, i32) {
    %c0_i32 = arith.constant 0 : i32
    %c0_i32_0 = arith.constant 0 : i32
    return %arg0, %c0_i32 : i32, i32
  }
  func.func @transform_11(%arg0: i32) -> (i32, i32) {
    %c0_i32 = arith.constant 0 : i32
    %c0_i32_0 = arith.constant 0 : i32
    return %arg0, %c0_i32 : i32, i32
  }
  func.func @transform_12(%arg0: i32) -> (i32, i32) {
    %c0_i32 = arith.constant 0 : i32
    %c0_i32_0 = arith.constant 0 : i32
    return %arg0, %c0_i32 : i32, i32
  }
}

module attributes {stable_mosaic.version = 14 : i64} {
  func.func @_soft_kernel(%arg0: i32, %arg1: memref<1x1xf32, #tpu.memory_space<vmem>>, %arg2: memref<256x16xf32, #tpu.memory_space<vmem>>, %arg3: memref<16x4096xf32, #tpu.memory_space<vmem>>, %arg4: memref<256x1xf32, #tpu.memory_space<vmem>>, %arg5: memref<1x4096xf32, #tpu.memory_space<vmem>>, %arg6: memref<256x4096xf32, #tpu.memory_space<vmem>>, %arg7: memref<256x16xi32, #tpu.memory_space<vmem>>, %arg8: memref<256x16xf32, #tpu.memory_space<vmem>>, %arg9: memref<256x4096xf32, #tpu.memory_space<vmem>>, %arg10: memref<256x4096xf32, #tpu.memory_space<vmem>>) attributes {dimension_semantics = [#tpu.dimension_semantics<arbitrary>], iteration_bounds = array<i64: 16>, scalar_prefetch = 0 : i64, scratch_operands = 2 : i64, tpu.core_type = #tpu.core_type<tc>, window_params = [{pipeline_mode = #tpu.pipeline_mode<synchronous>, transform_indices = @transform_0, window_bounds = array<i64: 1, 1>}, {transform_indices = @transform_1, window_bounds = array<i64: 256, 16>}, {pipeline_mode = #tpu.pipeline_mode<synchronous>, transform_indices = @transform_2, window_bounds = array<i64: 16, 4096>}, {transform_indices = @transform_3, window_bounds = array<i64: 256, 1>}, {pipeline_mode = #tpu.pipeline_mode<synchronous>, transform_indices = @transform_4, window_bounds = array<i64: 1, 4096>}, {transform_indices = @transform_5, window_bounds = array<i64: 256, 4096>}, {transform_indices = @transform_6, window_bounds = array<i64: 256, 16>}, {transform_indices = @transform_7, window_bounds = array<i64: 256, 16>}]} {
    %iota3A = tpu.iota {dimensions = array<i32: 1>} : vector<256x4096xi32>
    %convert_element_type3A = arith.sitofp %iota3A : vector<256x4096xi32> to vector<256x4096xf32>
    %swap3A = arith.constant 0 : index
    %swap3A_0 = arith.constant 0 : index
    %swap3A_1 = vector.load %arg10[%swap3A, %swap3A_0] : memref<256x4096xf32, #tpu.memory_space<vmem>>, vector<256x4096xf32>
    tpu.vector_store %arg10[%swap3A, %swap3A_0], %convert_element_type3A {strides = array<i32>} : memref<256x4096xf32, #tpu.memory_space<vmem>>, vector<256x4096xf32>,
    %get3A = arith.constant 0 : index
    %get3A_2 = arith.constant 0 : index
    %get3A_3 = vector.load %arg4[%get3A, %get3A_2] : memref<256x1xf32, #tpu.memory_space<vmem>>, vector<256x1xf32>
    %get3A_4 = arith.constant 0 : index
    %get3A_5 = arith.constant 0 : index
    %get3A_6 = vector.load %arg5[%get3A_4, %get3A_5] : memref<1x4096xf32, #tpu.memory_space<vmem>>, vector<1x4096xf32>
    %add3A = vector.broadcast %get3A_3 : vector<256x1xf32> to vector<256x4096xf32>
    %add3A_7 = vector.broadcast %get3A_6 : vector<1x4096xf32> to vector<256x4096xf32>
    %add3A_8 = arith.addf %add3A, %add3A_7 : vector<256x4096xf32>
    %get3A_9 = arith.constant 0 : index
    %get3A_10 = arith.constant 0 : index
    %get3A_11 = vector.load %arg2[%get3A_9, %get3A_10] : memref<256x16xf32, #tpu.memory_space<vmem>>, vector<256x16xf32>
    %get3A_12 = arith.constant 0 : index
    %get3A_13 = arith.constant 0 : index
    %get3A_14 = vector.load %arg3[%get3A_12, %get3A_13] : memref<16x4096xf32, #tpu.memory_space<vmem>>, vector<16x4096xf32>
    %dot_general3A = arith.constant dense<0.000000e+00> : vector<256x4096xf32>
    %dot_general3A_15 = tpu.matmul %get3A_11, %get3A_14, %dot_general3A {dimension_numbers = #tpu.dot_dimension_numbers<[1], [0], [0], [1], [0, 0, 1, 1], [], []>, transpose_lhs_hint = false} : vector<256x16xf32>, vector<16x4096xf32>, vector<256x4096xf32> -> vector<256x4096xf32>
    %mul3A = arith.constant 2.000000e+00 : f32
    %mul3A_16 = vector.broadcast %mul3A : f32 to vector<256x4096xf32>
    %mul3A_17 = arith.mulf %mul3A_16, %dot_general3A_15 : vector<256x4096xf32>
    %sub3A = arith.subf %add3A_8, %mul3A_17 : vector<256x4096xf32>
    %max3A = arith.constant 0.000000e+00 : f32
    %max3A_18 = vector.broadcast %max3A : f32 to vector<256x4096xf32>
    %max3A_19 = arith.maximumf %sub3A, %max3A_18 : vector<256x4096xf32>
    %get3A_20 = arith.constant 0 : index
    %get3A_21 = arith.constant 0 : index
    %get3A_22 = vector.load %arg1[%get3A_20, %get3A_21] : memref<1x1xf32, #tpu.memory_space<vmem>>, vector<1x1xf32>
    %get3A_23 = vector.extract %get3A_22[0, 0] : f32 from vector<1x1xf32>
    %neg3A = arith.constant 0.000000e+00 : f32
    %neg3A_24 = arith.subf %neg3A, %get3A_23 : f32
    %mul3A_25 = vector.broadcast %neg3A_24 : f32 to vector<256x4096xf32>
    %mul3A_26 = arith.mulf %mul3A_25, %max3A_19 : vector<256x4096xf32>
    %exp3A = math.exp %mul3A_26 : vector<256x4096xf32>
    %get3A_27 = arith.constant 0 : index
    %get3A_28 = arith.constant 0 : index
    %get3A_29 = vector.load %arg6[%get3A_27, %get3A_28] : memref<256x4096xf32, #tpu.memory_space<vmem>>, vector<256x4096xf32>
    %add3A_30 = arith.constant 9.99999968E-21 : f32
    %add3A_31 = vector.broadcast %add3A_30 : f32 to vector<256x4096xf32>
    %add3A_32 = arith.addf %get3A_29, %add3A_31 : vector<256x4096xf32>
    %log3A = math.log %add3A_32 : vector<256x4096xf32>
    %neg3A_33 = arith.constant 0.000000e+00 : f32
    %neg3A_34 = vector.broadcast %neg3A_33 : f32 to vector<256x4096xf32>
    %neg3A_35 = arith.subf %neg3A_34, %log3A : vector<256x4096xf32>
    %add3A_36 = arith.constant 9.99999968E-21 : f32
    %add3A_37 = vector.broadcast %add3A_36 : f32 to vector<256x4096xf32>
    %add3A_38 = arith.addf %neg3A_35, %add3A_37 : vector<256x4096xf32>
    %log3A_39 = math.log %add3A_38 : vector<256x4096xf32>
    %neg3A_40 = arith.constant 0.000000e+00 : f32
    %neg3A_41 = vector.broadcast %neg3A_40 : f32 to vector<256x4096xf32>
    %neg3A_42 = arith.subf %neg3A_41, %log3A_39 : vector<256x4096xf32>
    %add3A_43 = arith.constant 9.99999968E-21 : f32
    %add3A_44 = vector.broadcast %add3A_43 : f32 to vector<256x4096xf32>
    %add3A_45 = arith.addf %exp3A, %add3A_44 : vector<256x4096xf32>
    %log3A_46 = math.log %add3A_45 : vector<256x4096xf32>
    %add3A_47 = arith.addf %log3A_46, %neg3A_42 : vector<256x4096xf32>
    %swap3A_48 = arith.constant 0 : index
    %swap3A_49 = arith.constant 0 : index
    %swap3A_50 = vector.load %arg9[%swap3A_48, %swap3A_49] : memref<256x4096xf32, #tpu.memory_space<vmem>>, vector<256x4096xf32>
    tpu.vector_store %arg9[%swap3A_48, %swap3A_49], %add3A_47 {strides = array<i32>} : memref<256x4096xf32, #tpu.memory_space<vmem>>, vector<256x4096xf32>,
    %get3A_51 = arith.constant 0 : index
    %get3A_52 = arith.constant 0 : index
    %get3A_53 = vector.load %arg9[%get3A_51, %get3A_52] : memref<256x4096xf32, #tpu.memory_space<vmem>>, vector<256x4096xf32>
    %get3A_54 = arith.constant 0 : index
    %get3A_55 = arith.constant 0 : index
    %get3A_56 = vector.load %arg10[%get3A_54, %get3A_55] : memref<256x4096xf32, #tpu.memory_space<vmem>>, vector<256x4096xf32>
    %reduce_max3A = arith.constant dense<0xFF800000> : vector<256xf32>
    %reduce_max3A_57 = vector.multi_reduction <maximumf>, %get3A_53, %reduce_max3A [1] : vector<256x4096xf32> to vector<256xf32>
    %broadcast_in_dim3A = vector.shape_cast %reduce_max3A_57 : vector<256xf32> to vector<256x1xf32>
    %eq3A = vector.broadcast %broadcast_in_dim3A : vector<256x1xf32> to vector<256x4096xf32>
    %eq3A_58 = arith.cmpf oeq, %get3A_53, %eq3A : vector<256x4096xf32>
    %jit3A = arith.constant 4.096000e+03 : f32
    %broadcast_in_dim3A_59 = vector.broadcast %jit3A : f32 to vector<256x4096xf32>
    %select_n3A = arith.select %eq3A_58, %get3A_56, %broadcast_in_dim3A_59 : vector<256x4096xi1>, vector<256x4096xf32>
    %reduce_min3A = arith.constant dense<0x7F800000> : vector<256xf32>
    %reduce_min3A_60 = vector.multi_reduction <minimumf>, %select_n3A, %reduce_min3A [1] : vector<256x4096xf32> to vector<256xf32>
    %broadcast_in_dim3A_61 = vector.shape_cast %reduce_min3A_60 : vector<256xf32> to vector<256x1xf32>
    %neg3A_62 = arith.constant 0.000000e+00 : f32
    %neg3A_63 = arith.constant 0x7F800000 : f32
    %neg3A_64 = arith.subf %neg3A_62, %neg3A_63 : f32
    %broadcast_in_dim3A_65 = vector.broadcast %neg3A_64 : f32 to vector<256x4096xf32>
    %select_n3A_66 = arith.select %eq3A_58, %broadcast_in_dim3A_65, %get3A_53 : vector<256x4096xi1>, vector<256x4096xf32>
    %reduce_max3A_67 = arith.constant dense<0xFF800000> : vector<256xf32>
    %reduce_max3A_68 = vector.multi_reduction <maximumf>, %select_n3A_66, %reduce_max3A_67 [1] : vector<256x4096xf32> to vector<256xf32>
    %broadcast_in_dim3A_69 = vector.shape_cast %reduce_max3A_68 : vector<256xf32> to vector<256x1xf32>
    %eq3A_70 = vector.broadcast %broadcast_in_dim3A_69 : vector<256x1xf32> to vector<256x4096xf32>
    %eq3A_71 = arith.cmpf oeq, %select_n3A_66, %eq3A_70 : vector<256x4096xf32>
    %jit3A_72 = arith.constant 4.096000e+03 : f32
    %broadcast_in_dim3A_73 = vector.broadcast %jit3A_72 : f32 to vector<256x4096xf32>
    %select_n3A_74 = arith.select %eq3A_71, %get3A_56, %broadcast_in_dim3A_73 : vector<256x4096xi1>, vector<256x4096xf32>
    %reduce_min3A_75 = arith.constant dense<0x7F800000> : vector<256xf32>
    %reduce_min3A_76 = vector.multi_reduction <minimumf>, %select_n3A_74, %reduce_min3A_75 [1] : vector<256x4096xf32> to vector<256xf32>
    %broadcast_in_dim3A_77 = vector.shape_cast %reduce_min3A_76 : vector<256xf32> to vector<256x1xf32>
    %neg3A_78 = arith.constant 0.000000e+00 : f32
    %neg3A_79 = arith.constant 0x7F800000 : f32
    %neg3A_80 = arith.subf %neg3A_78, %neg3A_79 : f32
    %broadcast_in_dim3A_81 = vector.broadcast %neg3A_80 : f32 to vector<256x4096xf32>
    %select_n3A_82 = arith.select %eq3A_71, %broadcast_in_dim3A_81, %select_n3A_66 : vector<256x4096xi1>, vector<256x4096xf32>
    %reduce_max3A_83 = arith.constant dense<0xFF800000> : vector<256xf32>
    %reduce_max3A_84 = vector.multi_reduction <maximumf>, %select_n3A_82, %reduce_max3A_83 [1] : vector<256x4096xf32> to vector<256xf32>
    %broadcast_in_dim3A_85 = vector.shape_cast %reduce_max3A_84 : vector<256xf32> to vector<256x1xf32>
    %eq3A_86 = vector.broadcast %broadcast_in_dim3A_85 : vector<256x1xf32> to vector<256x4096xf32>
    %eq3A_87 = arith.cmpf oeq, %select_n3A_82, %eq3A_86 : vector<256x4096xf32>
    %jit3A_88 = arith.constant 4.096000e+03 : f32
    %broadcast_in_dim3A_89 = vector.broadcast %jit3A_88 : f32 to vector<256x4096xf32>
    %select_n3A_90 = arith.select %eq3A_87, %get3A_56, %broadcast_in_dim3A_89 : vector<256x4096xi1>, vector<256x4096xf32>
    %reduce_min3A_91 = arith.constant dense<0x7F800000> : vector<256xf32>
    %reduce_min3A_92 = vector.multi_reduction <minimumf>, %select_n3A_90, %reduce_min3A_91 [1] : vector<256x4096xf32> to vector<256xf32>
    %broadcast_in_dim3A_93 = vector.shape_cast %reduce_min3A_92 : vector<256xf32> to vector<256x1xf32>
    %neg3A_94 = arith.constant 0.000000e+00 : f32
    %neg3A_95 = arith.constant 0x7F800000 : f32
    %neg3A_96 = arith.subf %neg3A_94, %neg3A_95 : f32
    %broadcast_in_dim3A_97 = vector.broadcast %neg3A_96 : f32 to vector<256x4096xf32>
    %select_n3A_98 = arith.select %eq3A_87, %broadcast_in_dim3A_97, %select_n3A_82 : vector<256x4096xi1>, vector<256x4096xf32>
    %reduce_max3A_99 = arith.constant dense<0xFF800000> : vector<256xf32>
    %reduce_max3A_100 = vector.multi_reduction <maximumf>, %select_n3A_98, %reduce_max3A_99 [1] : vector<256x4096xf32> to vector<256xf32>
    %broadcast_in_dim3A_101 = vector.shape_cast %reduce_max3A_100 : vector<256xf32> to vector<256x1xf32>
    %eq3A_102 = vector.broadcast %broadcast_in_dim3A_101 : vector<256x1xf32> to vector<256x4096xf32>
    %eq3A_103 = arith.cmpf oeq, %select_n3A_98, %eq3A_102 : vector<256x4096xf32>
    %jit3A_104 = arith.constant 4.096000e+03 : f32
    %broadcast_in_dim3A_105 = vector.broadcast %jit3A_104 : f32 to vector<256x4096xf32>
    %select_n3A_106 = arith.select %eq3A_103, %get3A_56, %broadcast_in_dim3A_105 : vector<256x4096xi1>, vector<256x4096xf32>
    %reduce_min3A_107 = arith.constant dense<0x7F800000> : vector<256xf32>
    %reduce_min3A_108 = vector.multi_reduction <minimumf>, %select_n3A_106, %reduce_min3A_107 [1] : vector<256x4096xf32> to vector<256xf32>
    %broadcast_in_dim3A_109 = vector.shape_cast %reduce_min3A_108 : vector<256xf32> to vector<256x1xf32>
    %neg3A_110 = arith.constant 0.000000e+00 : f32
    %neg3A_111 = arith.constant 0x7F800000 : f32
    %neg3A_112 = arith.subf %neg3A_110, %neg3A_111 : f32
    %broadcast_in_dim3A_113 = vector.broadcast %neg3A_112 : f32 to vector<256x4096xf32>
    %select_n3A_114 = arith.select %eq3A_103, %broadcast_in_dim3A_113, %select_n3A_98 : vector<256x4096xi1>, vector<256x4096xf32>
    %reduce_max3A_115 = arith.constant dense<0xFF800000> : vector<256xf32>
    %reduce_max3A_116 = vector.multi_reduction <maximumf>, %select_n3A_114, %reduce_max3A_115 [1] : vector<256x4096xf32> to vector<256xf32>
    %broadcast_in_dim3A_117 = vector.shape_cast %reduce_max3A_116 : vector<256xf32> to vector<256x1xf32>
    %eq3A_118 = vector.broadcast %broadcast_in_dim3A_117 : vector<256x1xf32> to vector<256x4096xf32>
    %eq3A_119 = arith.cmpf oeq, %select_n3A_114, %eq3A_118 : vector<256x4096xf32>
    %jit3A_120 = arith.constant 4.096000e+03 : f32
    %broadcast_in_dim3A_121 = vector.broadcast %jit3A_120 : f32 to vector<256x4096xf32>
    %select_n3A_122 = arith.select %eq3A_119, %get3A_56, %broadcast_in_dim3A_121 : vector<256x4096xi1>, vector<256x4096xf32>
    %reduce_min3A_123 = arith.constant dense<0x7F800000> : vector<256xf32>
    %reduce_min3A_124 = vector.multi_reduction <minimumf>, %select_n3A_122, %reduce_min3A_123 [1] : vector<256x4096xf32> to vector<256xf32>
    %broadcast_in_dim3A_125 = vector.shape_cast %reduce_min3A_124 : vector<256xf32> to vector<256x1xf32>
    %neg3A_126 = arith.constant 0.000000e+00 : f32
    %neg3A_127 = arith.constant 0x7F800000 : f32
    %neg3A_128 = arith.subf %neg3A_126, %neg3A_127 : f32
    %broadcast_in_dim3A_129 = vector.broadcast %neg3A_128 : f32 to vector<256x4096xf32>
    %select_n3A_130 = arith.select %eq3A_119, %broadcast_in_dim3A_129, %select_n3A_114 : vector<256x4096xi1>, vector<256x4096xf32>
    %reduce_max3A_131 = arith.constant dense<0xFF800000> : vector<256xf32>
    %reduce_max3A_132 = vector.multi_reduction <maximumf>, %select_n3A_130, %reduce_max3A_131 [1] : vector<256x4096xf32> to vector<256xf32>
    %broadcast_in_dim3A_133 = vector.shape_cast %reduce_max3A_132 : vector<256xf32> to vector<256x1xf32>
    %eq3A_134 = vector.broadcast %broadcast_in_dim3A_133 : vector<256x1xf32> to vector<256x4096xf32>
    %eq3A_135 = arith.cmpf oeq, %select_n3A_130, %eq3A_134 : vector<256x4096xf32>
    %jit3A_136 = arith.constant 4.096000e+03 : f32
    %broadcast_in_dim3A_137 = vector.broadcast %jit3A_136 : f32 to vector<256x4096xf32>
    %select_n3A_138 = arith.select %eq3A_135, %get3A_56, %broadcast_in_dim3A_137 : vector<256x4096xi1>, vector<256x4096xf32>
    %reduce_min3A_139 = arith.constant dense<0x7F800000> : vector<256xf32>
    %reduce_min3A_140 = vector.multi_reduction <minimumf>, %select_n3A_138, %reduce_min3A_139 [1] : vector<256x4096xf32> to vector<256xf32>
    %broadcast_in_dim3A_141 = vector.shape_cast %reduce_min3A_140 : vector<256xf32> to vector<256x1xf32>
    %neg3A_142 = arith.constant 0.000000e+00 : f32
    %neg3A_143 = arith.constant 0x7F800000 : f32
    %neg3A_144 = arith.subf %neg3A_142, %neg3A_143 : f32
    %broadcast_in_dim3A_145 = vector.broadcast %neg3A_144 : f32 to vector<256x4096xf32>
    %select_n3A_146 = arith.select %eq3A_135, %broadcast_in_dim3A_145, %select_n3A_130 : vector<256x4096xi1>, vector<256x4096xf32>
    %reduce_max3A_147 = arith.constant dense<0xFF800000> : vector<256xf32>
    %reduce_max3A_148 = vector.multi_reduction <maximumf>, %select_n3A_146, %reduce_max3A_147 [1] : vector<256x4096xf32> to vector<256xf32>
    %broadcast_in_dim3A_149 = vector.shape_cast %reduce_max3A_148 : vector<256xf32> to vector<256x1xf32>
    %eq3A_150 = vector.broadcast %broadcast_in_dim3A_149 : vector<256x1xf32> to vector<256x4096xf32>
    %eq3A_151 = arith.cmpf oeq, %select_n3A_146, %eq3A_150 : vector<256x4096xf32>
    %jit3A_152 = arith.constant 4.096000e+03 : f32
    %broadcast_in_dim3A_153 = vector.broadcast %jit3A_152 : f32 to vector<256x4096xf32>
    %select_n3A_154 = arith.select %eq3A_151, %get3A_56, %broadcast_in_dim3A_153 : vector<256x4096xi1>, vector<256x4096xf32>
    %reduce_min3A_155 = arith.constant dense<0x7F800000> : vector<256xf32>
    %reduce_min3A_156 = vector.multi_reduction <minimumf>, %select_n3A_154, %reduce_min3A_155 [1] : vector<256x4096xf32> to vector<256xf32>
    %broadcast_in_dim3A_157 = vector.shape_cast %reduce_min3A_156 : vector<256xf32> to vector<256x1xf32>
    %neg3A_158 = arith.constant 0.000000e+00 : f32
    %neg3A_159 = arith.constant 0x7F800000 : f32
    %neg3A_160 = arith.subf %neg3A_158, %neg3A_159 : f32
    %broadcast_in_dim3A_161 = vector.broadcast %neg3A_160 : f32 to vector<256x4096xf32>
    %select_n3A_162 = arith.select %eq3A_151, %broadcast_in_dim3A_161, %select_n3A_146 : vector<256x4096xi1>, vector<256x4096xf32>
    %reduce_max3A_163 = arith.constant dense<0xFF800000> : vector<256xf32>
    %reduce_max3A_164 = vector.multi_reduction <maximumf>, %select_n3A_162, %reduce_max3A_163 [1] : vector<256x4096xf32> to vector<256xf32>
    %broadcast_in_dim3A_165 = vector.shape_cast %reduce_max3A_164 : vector<256xf32> to vector<256x1xf32>
    %eq3A_166 = vector.broadcast %broadcast_in_dim3A_165 : vector<256x1xf32> to vector<256x4096xf32>
    %eq3A_167 = arith.cmpf oeq, %select_n3A_162, %eq3A_166 : vector<256x4096xf32>
    %jit3A_168 = arith.constant 4.096000e+03 : f32
    %broadcast_in_dim3A_169 = vector.broadcast %jit3A_168 : f32 to vector<256x4096xf32>
    %select_n3A_170 = arith.select %eq3A_167, %get3A_56, %broadcast_in_dim3A_169 : vector<256x4096xi1>, vector<256x4096xf32>
    %reduce_min3A_171 = arith.constant dense<0x7F800000> : vector<256xf32>
    %reduce_min3A_172 = vector.multi_reduction <minimumf>, %select_n3A_170, %reduce_min3A_171 [1] : vector<256x4096xf32> to vector<256xf32>
    %broadcast_in_dim3A_173 = vector.shape_cast %reduce_min3A_172 : vector<256xf32> to vector<256x1xf32>
    %neg3A_174 = arith.constant 0.000000e+00 : f32
    %neg3A_175 = arith.constant 0x7F800000 : f32
    %neg3A_176 = arith.subf %neg3A_174, %neg3A_175 : f32
    %broadcast_in_dim3A_177 = vector.broadcast %neg3A_176 : f32 to vector<256x4096xf32>
    %select_n3A_178 = arith.select %eq3A_167, %broadcast_in_dim3A_177, %select_n3A_162 : vector<256x4096xi1>, vector<256x4096xf32>
    %reduce_max3A_179 = arith.constant dense<0xFF800000> : vector<256xf32>
    %reduce_max3A_180 = vector.multi_reduction <maximumf>, %select_n3A_178, %reduce_max3A_179 [1] : vector<256x4096xf32> to vector<256xf32>
    %broadcast_in_dim3A_181 = vector.shape_cast %reduce_max3A_180 : vector<256xf32> to vector<256x1xf32>
    %eq3A_182 = vector.broadcast %broadcast_in_dim3A_181 : vector<256x1xf32> to vector<256x4096xf32>
    %eq3A_183 = arith.cmpf oeq, %select_n3A_178, %eq3A_182 : vector<256x4096xf32>
    %jit3A_184 = arith.constant 4.096000e+03 : f32
    %broadcast_in_dim3A_185 = vector.broadcast %jit3A_184 : f32 to vector<256x4096xf32>
    %select_n3A_186 = arith.select %eq3A_183, %get3A_56, %broadcast_in_dim3A_185 : vector<256x4096xi1>, vector<256x4096xf32>
    %reduce_min3A_187 = arith.constant dense<0x7F800000> : vector<256xf32>
    %reduce_min3A_188 = vector.multi_reduction <minimumf>, %select_n3A_186, %reduce_min3A_187 [1] : vector<256x4096xf32> to vector<256xf32>
    %broadcast_in_dim3A_189 = vector.shape_cast %reduce_min3A_188 : vector<256xf32> to vector<256x1xf32>
    %neg3A_190 = arith.constant 0.000000e+00 : f32
    %neg3A_191 = arith.constant 0x7F800000 : f32
    %neg3A_192 = arith.subf %neg3A_190, %neg3A_191 : f32
    %broadcast_in_dim3A_193 = vector.broadcast %neg3A_192 : f32 to vector<256x4096xf32>
    %select_n3A_194 = arith.select %eq3A_183, %broadcast_in_dim3A_193, %select_n3A_178 : vector<256x4096xi1>, vector<256x4096xf32>
    %reduce_max3A_195 = arith.constant dense<0xFF800000> : vector<256xf32>
    %reduce_max3A_196 = vector.multi_reduction <maximumf>, %select_n3A_194, %reduce_max3A_195 [1] : vector<256x4096xf32> to vector<256xf32>
    %broadcast_in_dim3A_197 = vector.shape_cast %reduce_max3A_196 : vector<256xf32> to vector<256x1xf32>
    %eq3A_198 = vector.broadcast %broadcast_in_dim3A_197 : vector<256x1xf32> to vector<256x4096xf32>
    %eq3A_199 = arith.cmpf oeq, %select_n3A_194, %eq3A_198 : vector<256x4096xf32>
    %jit3A_200 = arith.constant 4.096000e+03 : f32
    %broadcast_in_dim3A_201 = vector.broadcast %jit3A_200 : f32 to vector<256x4096xf32>
    %select_n3A_202 = arith.select %eq3A_199, %get3A_56, %broadcast_in_dim3A_201 : vector<256x4096xi1>, vector<256x4096xf32>
    %reduce_min3A_203 = arith.constant dense<0x7F800000> : vector<256xf32>
    %reduce_min3A_204 = vector.multi_reduction <minimumf>, %select_n3A_202, %reduce_min3A_203 [1] : vector<256x4096xf32> to vector<256xf32>
    %broadcast_in_dim3A_205 = vector.shape_cast %reduce_min3A_204 : vector<256xf32> to vector<256x1xf32>
    %neg3A_206 = arith.constant 0.000000e+00 : f32
    %neg3A_207 = arith.constant 0x7F800000 : f32
    %neg3A_208 = arith.subf %neg3A_206, %neg3A_207 : f32
    %broadcast_in_dim3A_209 = vector.broadcast %neg3A_208 : f32 to vector<256x4096xf32>
    %select_n3A_210 = arith.select %eq3A_199, %broadcast_in_dim3A_209, %select_n3A_194 : vector<256x4096xi1>, vector<256x4096xf32>
    %reduce_max3A_211 = arith.constant dense<0xFF800000> : vector<256xf32>
    %reduce_max3A_212 = vector.multi_reduction <maximumf>, %select_n3A_210, %reduce_max3A_211 [1] : vector<256x4096xf32> to vector<256xf32>
    %broadcast_in_dim3A_213 = vector.shape_cast %reduce_max3A_212 : vector<256xf32> to vector<256x1xf32>
    %eq3A_214 = vector.broadcast %broadcast_in_dim3A_213 : vector<256x1xf32> to vector<256x4096xf32>
    %eq3A_215 = arith.cmpf oeq, %select_n3A_210, %eq3A_214 : vector<256x4096xf32>
    %jit3A_216 = arith.constant 4.096000e+03 : f32
    %broadcast_in_dim3A_217 = vector.broadcast %jit3A_216 : f32 to vector<256x4096xf32>
    %select_n3A_218 = arith.select %eq3A_215, %get3A_56, %broadcast_in_dim3A_217 : vector<256x4096xi1>, vector<256x4096xf32>
    %reduce_min3A_219 = arith.constant dense<0x7F800000> : vector<256xf32>
    %reduce_min3A_220 = vector.multi_reduction <minimumf>, %select_n3A_218, %reduce_min3A_219 [1] : vector<256x4096xf32> to vector<256xf32>
    %broadcast_in_dim3A_221 = vector.shape_cast %reduce_min3A_220 : vector<256xf32> to vector<256x1xf32>
    %neg3A_222 = arith.constant 0.000000e+00 : f32
    %neg3A_223 = arith.constant 0x7F800000 : f32
    %neg3A_224 = arith.subf %neg3A_222, %neg3A_223 : f32
    %broadcast_in_dim3A_225 = vector.broadcast %neg3A_224 : f32 to vector<256x4096xf32>
    %select_n3A_226 = arith.select %eq3A_215, %broadcast_in_dim3A_225, %select_n3A_210 : vector<256x4096xi1>, vector<256x4096xf32>
    %reduce_max3A_227 = arith.constant dense<0xFF800000> : vector<256xf32>
    %reduce_max3A_228 = vector.multi_reduction <maximumf>, %select_n3A_226, %reduce_max3A_227 [1] : vector<256x4096xf32> to vector<256xf32>
    %broadcast_in_dim3A_229 = vector.shape_cast %reduce_max3A_228 : vector<256xf32> to vector<256x1xf32>
    %eq3A_230 = vector.broadcast %broadcast_in_dim3A_229 : vector<256x1xf32> to vector<256x4096xf32>
    %eq3A_231 = arith.cmpf oeq, %select_n3A_226, %eq3A_230 : vector<256x4096xf32>
    %jit3A_232 = arith.constant 4.096000e+03 : f32
    %broadcast_in_dim3A_233 = vector.broadcast %jit3A_232 : f32 to vector<256x4096xf32>
    %select_n3A_234 = arith.select %eq3A_231, %get3A_56, %broadcast_in_dim3A_233 : vector<256x4096xi1>, vector<256x4096xf32>
    %reduce_min3A_235 = arith.constant dense<0x7F800000> : vector<256xf32>
    %reduce_min3A_236 = vector.multi_reduction <minimumf>, %select_n3A_234, %reduce_min3A_235 [1] : vector<256x4096xf32> to vector<256xf32>
    %broadcast_in_dim3A_237 = vector.shape_cast %reduce_min3A_236 : vector<256xf32> to vector<256x1xf32>
    %neg3A_238 = arith.constant 0.000000e+00 : f32
    %neg3A_239 = arith.constant 0x7F800000 : f32
    %neg3A_240 = arith.subf %neg3A_238, %neg3A_239 : f32
    %broadcast_in_dim3A_241 = vector.broadcast %neg3A_240 : f32 to vector<256x4096xf32>
    %select_n3A_242 = arith.select %eq3A_231, %broadcast_in_dim3A_241, %select_n3A_226 : vector<256x4096xi1>, vector<256x4096xf32>
    %reduce_max3A_243 = arith.constant dense<0xFF800000> : vector<256xf32>
    %reduce_max3A_244 = vector.multi_reduction <maximumf>, %select_n3A_242, %reduce_max3A_243 [1] : vector<256x4096xf32> to vector<256xf32>
    %broadcast_in_dim3A_245 = vector.shape_cast %reduce_max3A_244 : vector<256xf32> to vector<256x1xf32>
    %eq3A_246 = vector.broadcast %broadcast_in_dim3A_245 : vector<256x1xf32> to vector<256x4096xf32>
    %eq3A_247 = arith.cmpf oeq, %select_n3A_242, %eq3A_246 : vector<256x4096xf32>
    %jit3A_248 = arith.constant 4.096000e+03 : f32
    %broadcast_in_dim3A_249 = vector.broadcast %jit3A_248 : f32 to vector<256x4096xf32>
    %select_n3A_250 = arith.select %eq3A_247, %get3A_56, %broadcast_in_dim3A_249 : vector<256x4096xi1>, vector<256x4096xf32>
    %reduce_min3A_251 = arith.constant dense<0x7F800000> : vector<256xf32>
    %reduce_min3A_252 = vector.multi_reduction <minimumf>, %select_n3A_250, %reduce_min3A_251 [1] : vector<256x4096xf32> to vector<256xf32>
    %broadcast_in_dim3A_253 = vector.shape_cast %reduce_min3A_252 : vector<256xf32> to vector<256x1xf32>
    %neg3A_254 = arith.constant 0.000000e+00 : f32
    %neg3A_255 = arith.constant 0x7F800000 : f32
    %neg3A_256 = arith.subf %neg3A_254, %neg3A_255 : f32
    %broadcast_in_dim3A_257 = vector.broadcast %neg3A_256 : f32 to vector<256x4096xf32>
    %select_n3A_258 = arith.select %eq3A_247, %broadcast_in_dim3A_257, %select_n3A_242 : vector<256x4096xi1>, vector<256x4096xf32>
    %reduce_max3A_259 = arith.constant dense<0xFF800000> : vector<256xf32>
    %reduce_max3A_260 = vector.multi_reduction <maximumf>, %select_n3A_258, %reduce_max3A_259 [1] : vector<256x4096xf32> to vector<256xf32>
    %broadcast_in_dim3A_261 = vector.shape_cast %reduce_max3A_260 : vector<256xf32> to vector<256x1xf32>
    %eq3A_262 = vector.broadcast %broadcast_in_dim3A_261 : vector<256x1xf32> to vector<256x4096xf32>
    %eq3A_263 = arith.cmpf oeq, %select_n3A_258, %eq3A_262 : vector<256x4096xf32>
    %jit3A_264 = arith.constant 4.096000e+03 : f32
    %broadcast_in_dim3A_265 = vector.broadcast %jit3A_264 : f32 to vector<256x4096xf32>
    %select_n3A_266 = arith.select %eq3A_263, %get3A_56, %broadcast_in_dim3A_265 : vector<256x4096xi1>, vector<256x4096xf32>
    %reduce_min3A_267 = arith.constant dense<0x7F800000> : vector<256xf32>
    %reduce_min3A_268 = vector.multi_reduction <minimumf>, %select_n3A_266, %reduce_min3A_267 [1] : vector<256x4096xf32> to vector<256xf32>
    %broadcast_in_dim3A_269 = vector.shape_cast %reduce_min3A_268 : vector<256xf32> to vector<256x1xf32>
    %neg3A_270 = arith.constant 0.000000e+00 : f32
    %neg3A_271 = arith.constant 0x7F800000 : f32
    %neg3A_272 = arith.subf %neg3A_270, %neg3A_271 : f32
    %broadcast_in_dim3A_273 = vector.broadcast %neg3A_272 : f32 to vector<256x4096xf32>
    %select_n3A_274 = arith.select %eq3A_263, %broadcast_in_dim3A_273, %select_n3A_258 : vector<256x4096xi1>, vector<256x4096xf32>
    %reduce_max3A_275 = arith.constant dense<0xFF800000> : vector<256xf32>
    %reduce_max3A_276 = vector.multi_reduction <maximumf>, %select_n3A_274, %reduce_max3A_275 [1] : vector<256x4096xf32> to vector<256xf32>
    %broadcast_in_dim3A_277 = vector.shape_cast %reduce_max3A_276 : vector<256xf32> to vector<256x1xf32>
    %eq3A_278 = vector.broadcast %broadcast_in_dim3A_277 : vector<256x1xf32> to vector<256x4096xf32>
    %eq3A_279 = arith.cmpf oeq, %select_n3A_274, %eq3A_278 : vector<256x4096xf32>
    %jit3A_280 = arith.constant 4.096000e+03 : f32
    %broadcast_in_dim3A_281 = vector.broadcast %jit3A_280 : f32 to vector<256x4096xf32>
    %select_n3A_282 = arith.select %eq3A_279, %get3A_56, %broadcast_in_dim3A_281 : vector<256x4096xi1>, vector<256x4096xf32>
    %reduce_min3A_283 = arith.constant dense<0x7F800000> : vector<256xf32>
    %reduce_min3A_284 = vector.multi_reduction <minimumf>, %select_n3A_282, %reduce_min3A_283 [1] : vector<256x4096xf32> to vector<256xf32>
    %broadcast_in_dim3A_285 = vector.shape_cast %reduce_min3A_284 : vector<256xf32> to vector<256x1xf32>
    %neg3A_286 = arith.constant 0.000000e+00 : f32
    %neg3A_287 = arith.constant 0x7F800000 : f32
    %neg3A_288 = arith.subf %neg3A_286, %neg3A_287 : f32
    %broadcast_in_dim3A_289 = vector.broadcast %neg3A_288 : f32 to vector<256x4096xf32>
    %select_n3A_290 = arith.select %eq3A_279, %broadcast_in_dim3A_289, %select_n3A_274 : vector<256x4096xi1>, vector<256x4096xf32>
    %reduce_max3A_291 = arith.constant dense<0xFF800000> : vector<256xf32>
    %reduce_max3A_292 = vector.multi_reduction <maximumf>, %select_n3A_290, %reduce_max3A_291 [1] : vector<256x4096xf32> to vector<256xf32>
    %broadcast_in_dim3A_293 = vector.shape_cast %reduce_max3A_292 : vector<256xf32> to vector<256x1xf32>
    %eq3A_294 = vector.broadcast %broadcast_in_dim3A_293 : vector<256x1xf32> to vector<256x4096xf32>
    %eq3A_295 = arith.cmpf oeq, %select_n3A_290, %eq3A_294 : vector<256x4096xf32>
    %jit3A_296 = arith.constant 4.096000e+03 : f32
    %broadcast_in_dim3A_297 = vector.broadcast %jit3A_296 : f32 to vector<256x4096xf32>
    %select_n3A_298 = arith.select %eq3A_295, %get3A_56, %broadcast_in_dim3A_297 : vector<256x4096xi1>, vector<256x4096xf32>
    %reduce_min3A_299 = arith.constant dense<0x7F800000> : vector<256xf32>
    %reduce_min3A_300 = vector.multi_reduction <minimumf>, %select_n3A_298, %reduce_min3A_299 [1] : vector<256x4096xf32> to vector<256xf32>
    %broadcast_in_dim3A_301 = vector.shape_cast %reduce_min3A_300 : vector<256xf32> to vector<256x1xf32>
    %concatenate3A = tpu.concatenate %broadcast_in_dim3A_61, %broadcast_in_dim3A_77, %broadcast_in_dim3A_93, %broadcast_in_dim3A_109, %broadcast_in_dim3A_125, %broadcast_in_dim3A_141, %broadcast_in_dim3A_157, %broadcast_in_dim3A_173, %broadcast_in_dim3A_189, %broadcast_in_dim3A_205, %broadcast_in_dim3A_221, %broadcast_in_dim3A_237, %broadcast_in_dim3A_253, %broadcast_in_dim3A_269, %broadcast_in_dim3A_285, %broadcast_in_dim3A_301 in 1 : vector<256x1xf32>, vector<256x1xf32>, vector<256x1xf32>, vector<256x1xf32>, vector<256x1xf32>, vector<256x1xf32>, vector<256x1xf32>, vector<256x1xf32>, vector<256x1xf32>, vector<256x1xf32>, vector<256x1xf32>, vector<256x1xf32>, vector<256x1xf32>, vector<256x1xf32>, vector<256x1xf32>, vector<256x1xf32> -> vector<256x16xf32>
    %convert_element_type3A_302 = arith.fptosi %concatenate3A : vector<256x16xf32> to vector<256x16xi32>
    %concatenate3A_303 = tpu.concatenate %broadcast_in_dim3A, %broadcast_in_dim3A_69, %broadcast_in_dim3A_85, %broadcast_in_dim3A_101, %broadcast_in_dim3A_117, %broadcast_in_dim3A_133, %broadcast_in_dim3A_149, %broadcast_in_dim3A_165, %broadcast_in_dim3A_181, %broadcast_in_dim3A_197, %broadcast_in_dim3A_213, %broadcast_in_dim3A_229, %broadcast_in_dim3A_245, %broadcast_in_dim3A_261, %broadcast_in_dim3A_277, %broadcast_in_dim3A_293 in 1 : vector<256x1xf32>, vector<256x1xf32>, vector<256x1xf32>, vector<256x1xf32>, vector<256x1xf32>, vector<256x1xf32>, vector<256x1xf32>, vector<256x1xf32>, vector<256x1xf32>, vector<256x1xf32>, vector<256x1xf32>, vector<256x1xf32>, vector<256x1xf32>, vector<256x1xf32>, vector<256x1xf32>, vector<256x1xf32> -> vector<256x16xf32>
    %swap3A_304 = arith.constant 0 : index
    %swap3A_305 = arith.constant 0 : index
    %swap3A_306 = vector.load %arg7[%swap3A_304, %swap3A_305] : memref<256x16xi32, #tpu.memory_space<vmem>>, vector<256x16xi32>
    tpu.vector_store %arg7[%swap3A_304, %swap3A_305], %convert_element_type3A_302 {strides = array<i32>} : memref<256x16xi32, #tpu.memory_space<vmem>>, vector<256x16xi32>,
    %reduce_max3A_307 = arith.constant dense<0xFF800000> : vector<256xf32>
    %reduce_max3A_308 = vector.multi_reduction <maximumf>, %concatenate3A_303, %reduce_max3A_307 [1] : vector<256x16xf32> to vector<256xf32>
    %broadcast_in_dim3A_309 = vector.shape_cast %reduce_max3A_308 : vector<256xf32> to vector<256x1xf32>
    %sub3A_310 = vector.broadcast %broadcast_in_dim3A_309 : vector<256x1xf32> to vector<256x16xf32>
    %sub3A_311 = arith.subf %concatenate3A_303, %sub3A_310 : vector<256x16xf32>
    %exp3A_312 = math.exp %sub3A_311 : vector<256x16xf32>
    %reduce_sum3A = arith.constant dense<0.000000e+00> : vector<256xf32>
    %reduce_sum3A_313 = vector.multi_reduction <add>, %exp3A_312, %reduce_sum3A [1] : vector<256x16xf32> to vector<256xf32>
    %broadcast_in_dim3A_314 = vector.shape_cast %reduce_sum3A_313 : vector<256xf32> to vector<256x1xf32>
    %div3A = vector.broadcast %broadcast_in_dim3A_314 : vector<256x1xf32> to vector<256x16xf32>
    %div3A_315 = arith.divf %exp3A_312, %div3A : vector<256x16xf32>
    %reduce_max3A_316 = arith.constant dense<0xFF800000> : vector<256xf32>
    %reduce_max3A_317 = vector.multi_reduction <maximumf>, %div3A_315, %reduce_max3A_316 [1] : vector<256x16xf32> to vector<256xf32>
    %broadcast_in_dim3A_318 = vector.shape_cast %reduce_max3A_317 : vector<256xf32> to vector<256x1xf32>
    %div3A_319 = vector.broadcast %broadcast_in_dim3A_318 : vector<256x1xf32> to vector<256x16xf32>
    %div3A_320 = arith.divf %div3A_315, %div3A_319 : vector<256x16xf32>
    %swap3A_321 = arith.constant 0 : index
    %swap3A_322 = arith.constant 0 : index
    %swap3A_323 = vector.load %arg8[%swap3A_321, %swap3A_322] : memref<256x16xf32, #tpu.memory_space<vmem>>, vector<256x16xf32>
    tpu.vector_store %arg8[%swap3A_321, %swap3A_322], %div3A_320 {strides = array<i32>} : memref<256x16xf32, #tpu.memory_space<vmem>>, vector<256x16xf32>,
    return
  }
  func.func @transform_0(%arg0: i32) -> (i32, i32) {
    %c0_i32 = arith.constant 0 : i32
    %c0_i32_0 = arith.constant 0 : i32
    %c0_i32_1 = arith.constant 0 : i32
    return %c0_i32, %c0_i32_0 : i32, i32
  }
  func.func @transform_1(%arg0: i32) -> (i32, i32) {
    %c0_i32 = arith.constant 0 : i32
    %c0_i32_0 = arith.constant 0 : i32
    return %arg0, %c0_i32 : i32, i32
  }
  func.func @transform_2(%arg0: i32) -> (i32, i32) {
    %c0_i32 = arith.constant 0 : i32
    %c0_i32_0 = arith.constant 0 : i32
    %c0_i32_1 = arith.constant 0 : i32
    return %c0_i32, %c0_i32_0 : i32, i32
  }
  func.func @transform_3(%arg0: i32) -> (i32, i32) {
    %c0_i32 = arith.constant 0 : i32
    %c0_i32_0 = arith.constant 0 : i32
    return %arg0, %c0_i32 : i32, i32
  }
  func.func @transform_4(%arg0: i32) -> (i32, i32) {
    %c0_i32 = arith.constant 0 : i32
    %c0_i32_0 = arith.constant 0 : i32
    %c0_i32_1 = arith.constant 0 : i32
    return %c0_i32, %c0_i32_0 : i32, i32
  }
  func.func @transform_5(%arg0: i32) -> (i32, i32) {
    %c0_i32 = arith.constant 0 : i32
    %c0_i32_0 = arith.constant 0 : i32
    return %arg0, %c0_i32 : i32, i32
  }
  func.func @transform_6(%arg0: i32) -> (i32, i32) {
    %c0_i32 = arith.constant 0 : i32
    %c0_i32_0 = arith.constant 0 : i32
    return %arg0, %c0_i32 : i32, i32
  }
  func.func @transform_7(%arg0: i32) -> (i32, i32) {
    %c0_i32 = arith.constant 0 : i32
    %c0_i32_0 = arith.constant 0 : i32
    return %arg0, %c0_i32 : i32, i32
  }
}

module attributes {stable_mosaic.version = 14 : i64} {
  func.func @_knn_kernel(%arg0: i32, %arg1: memref<256x8xf32, #tpu.memory_space<vmem>>, %arg2: memref<8x4096xf32, #tpu.memory_space<vmem>>, %arg3: memref<256x1xf32, #tpu.memory_space<vmem>>, %arg4: memref<1x4096xf32, #tpu.memory_space<vmem>>, %arg5: memref<256x16xi32, #tpu.memory_space<vmem>>, %arg6: memref<256x4096xf32, #tpu.memory_space<vmem>>, %arg7: memref<256x4096xf32, #tpu.memory_space<vmem>>) attributes {dimension_semantics = [#tpu.dimension_semantics<arbitrary>], iteration_bounds = array<i64: 16>, scalar_prefetch = 0 : i64, scratch_operands = 2 : i64, tpu.core_type = #tpu.core_type<tc>, window_params = [{transform_indices = @transform_0, window_bounds = array<i64: 256, 8>}, {pipeline_mode = #tpu.pipeline_mode<synchronous>, transform_indices = @transform_1, window_bounds = array<i64: 8, 4096>}, {transform_indices = @transform_2, window_bounds = array<i64: 256, 1>}, {pipeline_mode = #tpu.pipeline_mode<synchronous>, transform_indices = @transform_3, window_bounds = array<i64: 1, 4096>}, {transform_indices = @transform_4, window_bounds = array<i64: 256, 16>}]} {
    %mul3A = arith.constant 256 : i32
    %mul3A_0 = arith.muli %arg0, %mul3A : i32
    %iota3A = tpu.iota {dimensions = array<i32: 0>} : vector<256x1xi32>
    %add3A = vector.broadcast %mul3A_0 : i32 to vector<256x1xi32>
    %add3A_1 = arith.addi %add3A, %iota3A : vector<256x1xi32>
    %iota3A_2 = tpu.iota {dimensions = array<i32: 1>} : vector<256x4096xi32>
    %convert_element_type3A = arith.sitofp %iota3A_2 : vector<256x4096xi32> to vector<256x4096xf32>
    %swap3A = arith.constant 0 : index
    %swap3A_3 = arith.constant 0 : index
    %swap3A_4 = vector.load %arg7[%swap3A, %swap3A_3] : memref<256x4096xf32, #tpu.memory_space<vmem>>, vector<256x4096xf32>
    tpu.vector_store %arg7[%swap3A, %swap3A_3], %convert_element_type3A {strides = array<i32>} : memref<256x4096xf32, #tpu.memory_space<vmem>>, vector<256x4096xf32>,
    %get3A = arith.constant 0 : index
    %get3A_5 = arith.constant 0 : index
    %get3A_6 = vector.load %arg3[%get3A, %get3A_5] : memref<256x1xf32, #tpu.memory_space<vmem>>, vector<256x1xf32>
    %get3A_7 = arith.constant 0 : index
    %get3A_8 = arith.constant 0 : index
    %get3A_9 = vector.load %arg4[%get3A_7, %get3A_8] : memref<1x4096xf32, #tpu.memory_space<vmem>>, vector<1x4096xf32>
    %add3A_10 = vector.broadcast %get3A_6 : vector<256x1xf32> to vector<256x4096xf32>
    %add3A_11 = vector.broadcast %get3A_9 : vector<1x4096xf32> to vector<256x4096xf32>
    %add3A_12 = arith.addf %add3A_10, %add3A_11 : vector<256x4096xf32>
    %get3A_13 = arith.constant 0 : index
    %get3A_14 = arith.constant 0 : index
    %get3A_15 = vector.load %arg1[%get3A_13, %get3A_14] : memref<256x8xf32, #tpu.memory_space<vmem>>, vector<256x8xf32>
    %get3A_16 = arith.constant 0 : index
    %get3A_17 = arith.constant 0 : index
    %get3A_18 = vector.load %arg2[%get3A_16, %get3A_17] : memref<8x4096xf32, #tpu.memory_space<vmem>>, vector<8x4096xf32>
    %dot_general3A = arith.constant dense<0.000000e+00> : vector<256x4096xf32>
    %dot_general3A_19 = tpu.matmul %get3A_15, %get3A_18, %dot_general3A {dimension_numbers = #tpu.dot_dimension_numbers<[1], [0], [0], [1], [0, 0, 1, 1], [], []>, transpose_lhs_hint = false} : vector<256x8xf32>, vector<8x4096xf32>, vector<256x4096xf32> -> vector<256x4096xf32>
    %mul3A_20 = arith.constant 2.000000e+00 : f32
    %mul3A_21 = vector.broadcast %mul3A_20 : f32 to vector<256x4096xf32>
    %mul3A_22 = arith.mulf %mul3A_21, %dot_general3A_19 : vector<256x4096xf32>
    %sub3A = arith.subf %add3A_12, %mul3A_22 : vector<256x4096xf32>
    %eq3A = vector.broadcast %add3A_1 : vector<256x1xi32> to vector<256x4096xi32>
    %eq3A_23 = arith.cmpi eq, %iota3A_2, %eq3A : vector<256x4096xi32>
    %jit3A = arith.constant 0x7F800000 : f32
    %broadcast_in_dim3A = vector.broadcast %jit3A : f32 to vector<256x4096xf32>
    %select_n3A = arith.select %eq3A_23, %broadcast_in_dim3A, %sub3A : vector<256x4096xi1>, vector<256x4096xf32>
    %swap3A_24 = arith.constant 0 : index
    %swap3A_25 = arith.constant 0 : index
    %swap3A_26 = vector.load %arg6[%swap3A_24, %swap3A_25] : memref<256x4096xf32, #tpu.memory_space<vmem>>, vector<256x4096xf32>
    tpu.vector_store %arg6[%swap3A_24, %swap3A_25], %select_n3A {strides = array<i32>} : memref<256x4096xf32, #tpu.memory_space<vmem>>, vector<256x4096xf32>,
    %get3A_27 = arith.constant 0 : index
    %get3A_28 = arith.constant 0 : index
    %get3A_29 = vector.load %arg6[%get3A_27, %get3A_28] : memref<256x4096xf32, #tpu.memory_space<vmem>>, vector<256x4096xf32>
    %get3A_30 = arith.constant 0 : index
    %get3A_31 = arith.constant 0 : index
    %get3A_32 = vector.load %arg7[%get3A_30, %get3A_31] : memref<256x4096xf32, #tpu.memory_space<vmem>>, vector<256x4096xf32>
    %reduce_min3A = arith.constant dense<0x7F800000> : vector<256xf32>
    %reduce_min3A_33 = vector.multi_reduction <minimumf>, %get3A_29, %reduce_min3A [1] : vector<256x4096xf32> to vector<256xf32>
    %broadcast_in_dim3A_34 = vector.shape_cast %reduce_min3A_33 : vector<256xf32> to vector<256x1xf32>
    %eq3A_35 = vector.broadcast %broadcast_in_dim3A_34 : vector<256x1xf32> to vector<256x4096xf32>
    %eq3A_36 = arith.cmpf oeq, %get3A_29, %eq3A_35 : vector<256x4096xf32>
    %jit3A_37 = arith.constant 4.096000e+03 : f32
    %broadcast_in_dim3A_38 = vector.broadcast %jit3A_37 : f32 to vector<256x4096xf32>
    %select_n3A_39 = arith.select %eq3A_36, %get3A_32, %broadcast_in_dim3A_38 : vector<256x4096xi1>, vector<256x4096xf32>
    %reduce_min3A_40 = arith.constant dense<0x7F800000> : vector<256xf32>
    %reduce_min3A_41 = vector.multi_reduction <minimumf>, %select_n3A_39, %reduce_min3A_40 [1] : vector<256x4096xf32> to vector<256xf32>
    %broadcast_in_dim3A_42 = vector.shape_cast %reduce_min3A_41 : vector<256xf32> to vector<256x1xf32>
    %jit3A_43 = arith.constant 0x7F800000 : f32
    %broadcast_in_dim3A_44 = vector.broadcast %jit3A_43 : f32 to vector<256x4096xf32>
    %select_n3A_45 = arith.select %eq3A_36, %broadcast_in_dim3A_44, %get3A_29 : vector<256x4096xi1>, vector<256x4096xf32>
    %reduce_min3A_46 = arith.constant dense<0x7F800000> : vector<256xf32>
    %reduce_min3A_47 = vector.multi_reduction <minimumf>, %select_n3A_45, %reduce_min3A_46 [1] : vector<256x4096xf32> to vector<256xf32>
    %broadcast_in_dim3A_48 = vector.shape_cast %reduce_min3A_47 : vector<256xf32> to vector<256x1xf32>
    %eq3A_49 = vector.broadcast %broadcast_in_dim3A_48 : vector<256x1xf32> to vector<256x4096xf32>
    %eq3A_50 = arith.cmpf oeq, %select_n3A_45, %eq3A_49 : vector<256x4096xf32>
    %jit3A_51 = arith.constant 4.096000e+03 : f32
    %broadcast_in_dim3A_52 = vector.broadcast %jit3A_51 : f32 to vector<256x4096xf32>
    %select_n3A_53 = arith.select %eq3A_50, %get3A_32, %broadcast_in_dim3A_52 : vector<256x4096xi1>, vector<256x4096xf32>
    %reduce_min3A_54 = arith.constant dense<0x7F800000> : vector<256xf32>
    %reduce_min3A_55 = vector.multi_reduction <minimumf>, %select_n3A_53, %reduce_min3A_54 [1] : vector<256x4096xf32> to vector<256xf32>
    %broadcast_in_dim3A_56 = vector.shape_cast %reduce_min3A_55 : vector<256xf32> to vector<256x1xf32>
    %jit3A_57 = arith.constant 0x7F800000 : f32
    %broadcast_in_dim3A_58 = vector.broadcast %jit3A_57 : f32 to vector<256x4096xf32>
    %select_n3A_59 = arith.select %eq3A_50, %broadcast_in_dim3A_58, %select_n3A_45 : vector<256x4096xi1>, vector<256x4096xf32>
    %reduce_min3A_60 = arith.constant dense<0x7F800000> : vector<256xf32>
    %reduce_min3A_61 = vector.multi_reduction <minimumf>, %select_n3A_59, %reduce_min3A_60 [1] : vector<256x4096xf32> to vector<256xf32>
    %broadcast_in_dim3A_62 = vector.shape_cast %reduce_min3A_61 : vector<256xf32> to vector<256x1xf32>
    %eq3A_63 = vector.broadcast %broadcast_in_dim3A_62 : vector<256x1xf32> to vector<256x4096xf32>
    %eq3A_64 = arith.cmpf oeq, %select_n3A_59, %eq3A_63 : vector<256x4096xf32>
    %jit3A_65 = arith.constant 4.096000e+03 : f32
    %broadcast_in_dim3A_66 = vector.broadcast %jit3A_65 : f32 to vector<256x4096xf32>
    %select_n3A_67 = arith.select %eq3A_64, %get3A_32, %broadcast_in_dim3A_66 : vector<256x4096xi1>, vector<256x4096xf32>
    %reduce_min3A_68 = arith.constant dense<0x7F800000> : vector<256xf32>
    %reduce_min3A_69 = vector.multi_reduction <minimumf>, %select_n3A_67, %reduce_min3A_68 [1] : vector<256x4096xf32> to vector<256xf32>
    %broadcast_in_dim3A_70 = vector.shape_cast %reduce_min3A_69 : vector<256xf32> to vector<256x1xf32>
    %jit3A_71 = arith.constant 0x7F800000 : f32
    %broadcast_in_dim3A_72 = vector.broadcast %jit3A_71 : f32 to vector<256x4096xf32>
    %select_n3A_73 = arith.select %eq3A_64, %broadcast_in_dim3A_72, %select_n3A_59 : vector<256x4096xi1>, vector<256x4096xf32>
    %reduce_min3A_74 = arith.constant dense<0x7F800000> : vector<256xf32>
    %reduce_min3A_75 = vector.multi_reduction <minimumf>, %select_n3A_73, %reduce_min3A_74 [1] : vector<256x4096xf32> to vector<256xf32>
    %broadcast_in_dim3A_76 = vector.shape_cast %reduce_min3A_75 : vector<256xf32> to vector<256x1xf32>
    %eq3A_77 = vector.broadcast %broadcast_in_dim3A_76 : vector<256x1xf32> to vector<256x4096xf32>
    %eq3A_78 = arith.cmpf oeq, %select_n3A_73, %eq3A_77 : vector<256x4096xf32>
    %jit3A_79 = arith.constant 4.096000e+03 : f32
    %broadcast_in_dim3A_80 = vector.broadcast %jit3A_79 : f32 to vector<256x4096xf32>
    %select_n3A_81 = arith.select %eq3A_78, %get3A_32, %broadcast_in_dim3A_80 : vector<256x4096xi1>, vector<256x4096xf32>
    %reduce_min3A_82 = arith.constant dense<0x7F800000> : vector<256xf32>
    %reduce_min3A_83 = vector.multi_reduction <minimumf>, %select_n3A_81, %reduce_min3A_82 [1] : vector<256x4096xf32> to vector<256xf32>
    %broadcast_in_dim3A_84 = vector.shape_cast %reduce_min3A_83 : vector<256xf32> to vector<256x1xf32>
    %jit3A_85 = arith.constant 0x7F800000 : f32
    %broadcast_in_dim3A_86 = vector.broadcast %jit3A_85 : f32 to vector<256x4096xf32>
    %select_n3A_87 = arith.select %eq3A_78, %broadcast_in_dim3A_86, %select_n3A_73 : vector<256x4096xi1>, vector<256x4096xf32>
    %reduce_min3A_88 = arith.constant dense<0x7F800000> : vector<256xf32>
    %reduce_min3A_89 = vector.multi_reduction <minimumf>, %select_n3A_87, %reduce_min3A_88 [1] : vector<256x4096xf32> to vector<256xf32>
    %broadcast_in_dim3A_90 = vector.shape_cast %reduce_min3A_89 : vector<256xf32> to vector<256x1xf32>
    %eq3A_91 = vector.broadcast %broadcast_in_dim3A_90 : vector<256x1xf32> to vector<256x4096xf32>
    %eq3A_92 = arith.cmpf oeq, %select_n3A_87, %eq3A_91 : vector<256x4096xf32>
    %jit3A_93 = arith.constant 4.096000e+03 : f32
    %broadcast_in_dim3A_94 = vector.broadcast %jit3A_93 : f32 to vector<256x4096xf32>
    %select_n3A_95 = arith.select %eq3A_92, %get3A_32, %broadcast_in_dim3A_94 : vector<256x4096xi1>, vector<256x4096xf32>
    %reduce_min3A_96 = arith.constant dense<0x7F800000> : vector<256xf32>
    %reduce_min3A_97 = vector.multi_reduction <minimumf>, %select_n3A_95, %reduce_min3A_96 [1] : vector<256x4096xf32> to vector<256xf32>
    %broadcast_in_dim3A_98 = vector.shape_cast %reduce_min3A_97 : vector<256xf32> to vector<256x1xf32>
    %jit3A_99 = arith.constant 0x7F800000 : f32
    %broadcast_in_dim3A_100 = vector.broadcast %jit3A_99 : f32 to vector<256x4096xf32>
    %select_n3A_101 = arith.select %eq3A_92, %broadcast_in_dim3A_100, %select_n3A_87 : vector<256x4096xi1>, vector<256x4096xf32>
    %reduce_min3A_102 = arith.constant dense<0x7F800000> : vector<256xf32>
    %reduce_min3A_103 = vector.multi_reduction <minimumf>, %select_n3A_101, %reduce_min3A_102 [1] : vector<256x4096xf32> to vector<256xf32>
    %broadcast_in_dim3A_104 = vector.shape_cast %reduce_min3A_103 : vector<256xf32> to vector<256x1xf32>
    %eq3A_105 = vector.broadcast %broadcast_in_dim3A_104 : vector<256x1xf32> to vector<256x4096xf32>
    %eq3A_106 = arith.cmpf oeq, %select_n3A_101, %eq3A_105 : vector<256x4096xf32>
    %jit3A_107 = arith.constant 4.096000e+03 : f32
    %broadcast_in_dim3A_108 = vector.broadcast %jit3A_107 : f32 to vector<256x4096xf32>
    %select_n3A_109 = arith.select %eq3A_106, %get3A_32, %broadcast_in_dim3A_108 : vector<256x4096xi1>, vector<256x4096xf32>
    %reduce_min3A_110 = arith.constant dense<0x7F800000> : vector<256xf32>
    %reduce_min3A_111 = vector.multi_reduction <minimumf>, %select_n3A_109, %reduce_min3A_110 [1] : vector<256x4096xf32> to vector<256xf32>
    %broadcast_in_dim3A_112 = vector.shape_cast %reduce_min3A_111 : vector<256xf32> to vector<256x1xf32>
    %jit3A_113 = arith.constant 0x7F800000 : f32
    %broadcast_in_dim3A_114 = vector.broadcast %jit3A_113 : f32 to vector<256x4096xf32>
    %select_n3A_115 = arith.select %eq3A_106, %broadcast_in_dim3A_114, %select_n3A_101 : vector<256x4096xi1>, vector<256x4096xf32>
    %reduce_min3A_116 = arith.constant dense<0x7F800000> : vector<256xf32>
    %reduce_min3A_117 = vector.multi_reduction <minimumf>, %select_n3A_115, %reduce_min3A_116 [1] : vector<256x4096xf32> to vector<256xf32>
    %broadcast_in_dim3A_118 = vector.shape_cast %reduce_min3A_117 : vector<256xf32> to vector<256x1xf32>
    %eq3A_119 = vector.broadcast %broadcast_in_dim3A_118 : vector<256x1xf32> to vector<256x4096xf32>
    %eq3A_120 = arith.cmpf oeq, %select_n3A_115, %eq3A_119 : vector<256x4096xf32>
    %jit3A_121 = arith.constant 4.096000e+03 : f32
    %broadcast_in_dim3A_122 = vector.broadcast %jit3A_121 : f32 to vector<256x4096xf32>
    %select_n3A_123 = arith.select %eq3A_120, %get3A_32, %broadcast_in_dim3A_122 : vector<256x4096xi1>, vector<256x4096xf32>
    %reduce_min3A_124 = arith.constant dense<0x7F800000> : vector<256xf32>
    %reduce_min3A_125 = vector.multi_reduction <minimumf>, %select_n3A_123, %reduce_min3A_124 [1] : vector<256x4096xf32> to vector<256xf32>
    %broadcast_in_dim3A_126 = vector.shape_cast %reduce_min3A_125 : vector<256xf32> to vector<256x1xf32>
    %jit3A_127 = arith.constant 0x7F800000 : f32
    %broadcast_in_dim3A_128 = vector.broadcast %jit3A_127 : f32 to vector<256x4096xf32>
    %select_n3A_129 = arith.select %eq3A_120, %broadcast_in_dim3A_128, %select_n3A_115 : vector<256x4096xi1>, vector<256x4096xf32>
    %reduce_min3A_130 = arith.constant dense<0x7F800000> : vector<256xf32>
    %reduce_min3A_131 = vector.multi_reduction <minimumf>, %select_n3A_129, %reduce_min3A_130 [1] : vector<256x4096xf32> to vector<256xf32>
    %broadcast_in_dim3A_132 = vector.shape_cast %reduce_min3A_131 : vector<256xf32> to vector<256x1xf32>
    %eq3A_133 = vector.broadcast %broadcast_in_dim3A_132 : vector<256x1xf32> to vector<256x4096xf32>
    %eq3A_134 = arith.cmpf oeq, %select_n3A_129, %eq3A_133 : vector<256x4096xf32>
    %jit3A_135 = arith.constant 4.096000e+03 : f32
    %broadcast_in_dim3A_136 = vector.broadcast %jit3A_135 : f32 to vector<256x4096xf32>
    %select_n3A_137 = arith.select %eq3A_134, %get3A_32, %broadcast_in_dim3A_136 : vector<256x4096xi1>, vector<256x4096xf32>
    %reduce_min3A_138 = arith.constant dense<0x7F800000> : vector<256xf32>
    %reduce_min3A_139 = vector.multi_reduction <minimumf>, %select_n3A_137, %reduce_min3A_138 [1] : vector<256x4096xf32> to vector<256xf32>
    %broadcast_in_dim3A_140 = vector.shape_cast %reduce_min3A_139 : vector<256xf32> to vector<256x1xf32>
    %jit3A_141 = arith.constant 0x7F800000 : f32
    %broadcast_in_dim3A_142 = vector.broadcast %jit3A_141 : f32 to vector<256x4096xf32>
    %select_n3A_143 = arith.select %eq3A_134, %broadcast_in_dim3A_142, %select_n3A_129 : vector<256x4096xi1>, vector<256x4096xf32>
    %reduce_min3A_144 = arith.constant dense<0x7F800000> : vector<256xf32>
    %reduce_min3A_145 = vector.multi_reduction <minimumf>, %select_n3A_143, %reduce_min3A_144 [1] : vector<256x4096xf32> to vector<256xf32>
    %broadcast_in_dim3A_146 = vector.shape_cast %reduce_min3A_145 : vector<256xf32> to vector<256x1xf32>
    %eq3A_147 = vector.broadcast %broadcast_in_dim3A_146 : vector<256x1xf32> to vector<256x4096xf32>
    %eq3A_148 = arith.cmpf oeq, %select_n3A_143, %eq3A_147 : vector<256x4096xf32>
    %jit3A_149 = arith.constant 4.096000e+03 : f32
    %broadcast_in_dim3A_150 = vector.broadcast %jit3A_149 : f32 to vector<256x4096xf32>
    %select_n3A_151 = arith.select %eq3A_148, %get3A_32, %broadcast_in_dim3A_150 : vector<256x4096xi1>, vector<256x4096xf32>
    %reduce_min3A_152 = arith.constant dense<0x7F800000> : vector<256xf32>
    %reduce_min3A_153 = vector.multi_reduction <minimumf>, %select_n3A_151, %reduce_min3A_152 [1] : vector<256x4096xf32> to vector<256xf32>
    %broadcast_in_dim3A_154 = vector.shape_cast %reduce_min3A_153 : vector<256xf32> to vector<256x1xf32>
    %jit3A_155 = arith.constant 0x7F800000 : f32
    %broadcast_in_dim3A_156 = vector.broadcast %jit3A_155 : f32 to vector<256x4096xf32>
    %select_n3A_157 = arith.select %eq3A_148, %broadcast_in_dim3A_156, %select_n3A_143 : vector<256x4096xi1>, vector<256x4096xf32>
    %reduce_min3A_158 = arith.constant dense<0x7F800000> : vector<256xf32>
    %reduce_min3A_159 = vector.multi_reduction <minimumf>, %select_n3A_157, %reduce_min3A_158 [1] : vector<256x4096xf32> to vector<256xf32>
    %broadcast_in_dim3A_160 = vector.shape_cast %reduce_min3A_159 : vector<256xf32> to vector<256x1xf32>
    %eq3A_161 = vector.broadcast %broadcast_in_dim3A_160 : vector<256x1xf32> to vector<256x4096xf32>
    %eq3A_162 = arith.cmpf oeq, %select_n3A_157, %eq3A_161 : vector<256x4096xf32>
    %jit3A_163 = arith.constant 4.096000e+03 : f32
    %broadcast_in_dim3A_164 = vector.broadcast %jit3A_163 : f32 to vector<256x4096xf32>
    %select_n3A_165 = arith.select %eq3A_162, %get3A_32, %broadcast_in_dim3A_164 : vector<256x4096xi1>, vector<256x4096xf32>
    %reduce_min3A_166 = arith.constant dense<0x7F800000> : vector<256xf32>
    %reduce_min3A_167 = vector.multi_reduction <minimumf>, %select_n3A_165, %reduce_min3A_166 [1] : vector<256x4096xf32> to vector<256xf32>
    %broadcast_in_dim3A_168 = vector.shape_cast %reduce_min3A_167 : vector<256xf32> to vector<256x1xf32>
    %jit3A_169 = arith.constant 0x7F800000 : f32
    %broadcast_in_dim3A_170 = vector.broadcast %jit3A_169 : f32 to vector<256x4096xf32>
    %select_n3A_171 = arith.select %eq3A_162, %broadcast_in_dim3A_170, %select_n3A_157 : vector<256x4096xi1>, vector<256x4096xf32>
    %reduce_min3A_172 = arith.constant dense<0x7F800000> : vector<256xf32>
    %reduce_min3A_173 = vector.multi_reduction <minimumf>, %select_n3A_171, %reduce_min3A_172 [1] : vector<256x4096xf32> to vector<256xf32>
    %broadcast_in_dim3A_174 = vector.shape_cast %reduce_min3A_173 : vector<256xf32> to vector<256x1xf32>
    %eq3A_175 = vector.broadcast %broadcast_in_dim3A_174 : vector<256x1xf32> to vector<256x4096xf32>
    %eq3A_176 = arith.cmpf oeq, %select_n3A_171, %eq3A_175 : vector<256x4096xf32>
    %jit3A_177 = arith.constant 4.096000e+03 : f32
    %broadcast_in_dim3A_178 = vector.broadcast %jit3A_177 : f32 to vector<256x4096xf32>
    %select_n3A_179 = arith.select %eq3A_176, %get3A_32, %broadcast_in_dim3A_178 : vector<256x4096xi1>, vector<256x4096xf32>
    %reduce_min3A_180 = arith.constant dense<0x7F800000> : vector<256xf32>
    %reduce_min3A_181 = vector.multi_reduction <minimumf>, %select_n3A_179, %reduce_min3A_180 [1] : vector<256x4096xf32> to vector<256xf32>
    %broadcast_in_dim3A_182 = vector.shape_cast %reduce_min3A_181 : vector<256xf32> to vector<256x1xf32>
    %jit3A_183 = arith.constant 0x7F800000 : f32
    %broadcast_in_dim3A_184 = vector.broadcast %jit3A_183 : f32 to vector<256x4096xf32>
    %select_n3A_185 = arith.select %eq3A_176, %broadcast_in_dim3A_184, %select_n3A_171 : vector<256x4096xi1>, vector<256x4096xf32>
    %reduce_min3A_186 = arith.constant dense<0x7F800000> : vector<256xf32>
    %reduce_min3A_187 = vector.multi_reduction <minimumf>, %select_n3A_185, %reduce_min3A_186 [1] : vector<256x4096xf32> to vector<256xf32>
    %broadcast_in_dim3A_188 = vector.shape_cast %reduce_min3A_187 : vector<256xf32> to vector<256x1xf32>
    %eq3A_189 = vector.broadcast %broadcast_in_dim3A_188 : vector<256x1xf32> to vector<256x4096xf32>
    %eq3A_190 = arith.cmpf oeq, %select_n3A_185, %eq3A_189 : vector<256x4096xf32>
    %jit3A_191 = arith.constant 4.096000e+03 : f32
    %broadcast_in_dim3A_192 = vector.broadcast %jit3A_191 : f32 to vector<256x4096xf32>
    %select_n3A_193 = arith.select %eq3A_190, %get3A_32, %broadcast_in_dim3A_192 : vector<256x4096xi1>, vector<256x4096xf32>
    %reduce_min3A_194 = arith.constant dense<0x7F800000> : vector<256xf32>
    %reduce_min3A_195 = vector.multi_reduction <minimumf>, %select_n3A_193, %reduce_min3A_194 [1] : vector<256x4096xf32> to vector<256xf32>
    %broadcast_in_dim3A_196 = vector.shape_cast %reduce_min3A_195 : vector<256xf32> to vector<256x1xf32>
    %jit3A_197 = arith.constant 0x7F800000 : f32
    %broadcast_in_dim3A_198 = vector.broadcast %jit3A_197 : f32 to vector<256x4096xf32>
    %select_n3A_199 = arith.select %eq3A_190, %broadcast_in_dim3A_198, %select_n3A_185 : vector<256x4096xi1>, vector<256x4096xf32>
    %reduce_min3A_200 = arith.constant dense<0x7F800000> : vector<256xf32>
    %reduce_min3A_201 = vector.multi_reduction <minimumf>, %select_n3A_199, %reduce_min3A_200 [1] : vector<256x4096xf32> to vector<256xf32>
    %broadcast_in_dim3A_202 = vector.shape_cast %reduce_min3A_201 : vector<256xf32> to vector<256x1xf32>
    %eq3A_203 = vector.broadcast %broadcast_in_dim3A_202 : vector<256x1xf32> to vector<256x4096xf32>
    %eq3A_204 = arith.cmpf oeq, %select_n3A_199, %eq3A_203 : vector<256x4096xf32>
    %jit3A_205 = arith.constant 4.096000e+03 : f32
    %broadcast_in_dim3A_206 = vector.broadcast %jit3A_205 : f32 to vector<256x4096xf32>
    %select_n3A_207 = arith.select %eq3A_204, %get3A_32, %broadcast_in_dim3A_206 : vector<256x4096xi1>, vector<256x4096xf32>
    %reduce_min3A_208 = arith.constant dense<0x7F800000> : vector<256xf32>
    %reduce_min3A_209 = vector.multi_reduction <minimumf>, %select_n3A_207, %reduce_min3A_208 [1] : vector<256x4096xf32> to vector<256xf32>
    %broadcast_in_dim3A_210 = vector.shape_cast %reduce_min3A_209 : vector<256xf32> to vector<256x1xf32>
    %jit3A_211 = arith.constant 0x7F800000 : f32
    %broadcast_in_dim3A_212 = vector.broadcast %jit3A_211 : f32 to vector<256x4096xf32>
    %select_n3A_213 = arith.select %eq3A_204, %broadcast_in_dim3A_212, %select_n3A_199 : vector<256x4096xi1>, vector<256x4096xf32>
    %reduce_min3A_214 = arith.constant dense<0x7F800000> : vector<256xf32>
    %reduce_min3A_215 = vector.multi_reduction <minimumf>, %select_n3A_213, %reduce_min3A_214 [1] : vector<256x4096xf32> to vector<256xf32>
    %broadcast_in_dim3A_216 = vector.shape_cast %reduce_min3A_215 : vector<256xf32> to vector<256x1xf32>
    %eq3A_217 = vector.broadcast %broadcast_in_dim3A_216 : vector<256x1xf32> to vector<256x4096xf32>
    %eq3A_218 = arith.cmpf oeq, %select_n3A_213, %eq3A_217 : vector<256x4096xf32>
    %jit3A_219 = arith.constant 4.096000e+03 : f32
    %broadcast_in_dim3A_220 = vector.broadcast %jit3A_219 : f32 to vector<256x4096xf32>
    %select_n3A_221 = arith.select %eq3A_218, %get3A_32, %broadcast_in_dim3A_220 : vector<256x4096xi1>, vector<256x4096xf32>
    %reduce_min3A_222 = arith.constant dense<0x7F800000> : vector<256xf32>
    %reduce_min3A_223 = vector.multi_reduction <minimumf>, %select_n3A_221, %reduce_min3A_222 [1] : vector<256x4096xf32> to vector<256xf32>
    %broadcast_in_dim3A_224 = vector.shape_cast %reduce_min3A_223 : vector<256xf32> to vector<256x1xf32>
    %jit3A_225 = arith.constant 0x7F800000 : f32
    %broadcast_in_dim3A_226 = vector.broadcast %jit3A_225 : f32 to vector<256x4096xf32>
    %select_n3A_227 = arith.select %eq3A_218, %broadcast_in_dim3A_226, %select_n3A_213 : vector<256x4096xi1>, vector<256x4096xf32>
    %reduce_min3A_228 = arith.constant dense<0x7F800000> : vector<256xf32>
    %reduce_min3A_229 = vector.multi_reduction <minimumf>, %select_n3A_227, %reduce_min3A_228 [1] : vector<256x4096xf32> to vector<256xf32>
    %broadcast_in_dim3A_230 = vector.shape_cast %reduce_min3A_229 : vector<256xf32> to vector<256x1xf32>
    %eq3A_231 = vector.broadcast %broadcast_in_dim3A_230 : vector<256x1xf32> to vector<256x4096xf32>
    %eq3A_232 = arith.cmpf oeq, %select_n3A_227, %eq3A_231 : vector<256x4096xf32>
    %jit3A_233 = arith.constant 4.096000e+03 : f32
    %broadcast_in_dim3A_234 = vector.broadcast %jit3A_233 : f32 to vector<256x4096xf32>
    %select_n3A_235 = arith.select %eq3A_232, %get3A_32, %broadcast_in_dim3A_234 : vector<256x4096xi1>, vector<256x4096xf32>
    %reduce_min3A_236 = arith.constant dense<0x7F800000> : vector<256xf32>
    %reduce_min3A_237 = vector.multi_reduction <minimumf>, %select_n3A_235, %reduce_min3A_236 [1] : vector<256x4096xf32> to vector<256xf32>
    %broadcast_in_dim3A_238 = vector.shape_cast %reduce_min3A_237 : vector<256xf32> to vector<256x1xf32>
    %jit3A_239 = arith.constant 0x7F800000 : f32
    %broadcast_in_dim3A_240 = vector.broadcast %jit3A_239 : f32 to vector<256x4096xf32>
    %select_n3A_241 = arith.select %eq3A_232, %broadcast_in_dim3A_240, %select_n3A_227 : vector<256x4096xi1>, vector<256x4096xf32>
    %reduce_min3A_242 = arith.constant dense<0x7F800000> : vector<256xf32>
    %reduce_min3A_243 = vector.multi_reduction <minimumf>, %select_n3A_241, %reduce_min3A_242 [1] : vector<256x4096xf32> to vector<256xf32>
    %broadcast_in_dim3A_244 = vector.shape_cast %reduce_min3A_243 : vector<256xf32> to vector<256x1xf32>
    %eq3A_245 = vector.broadcast %broadcast_in_dim3A_244 : vector<256x1xf32> to vector<256x4096xf32>
    %eq3A_246 = arith.cmpf oeq, %select_n3A_241, %eq3A_245 : vector<256x4096xf32>
    %jit3A_247 = arith.constant 4.096000e+03 : f32
    %broadcast_in_dim3A_248 = vector.broadcast %jit3A_247 : f32 to vector<256x4096xf32>
    %select_n3A_249 = arith.select %eq3A_246, %get3A_32, %broadcast_in_dim3A_248 : vector<256x4096xi1>, vector<256x4096xf32>
    %reduce_min3A_250 = arith.constant dense<0x7F800000> : vector<256xf32>
    %reduce_min3A_251 = vector.multi_reduction <minimumf>, %select_n3A_249, %reduce_min3A_250 [1] : vector<256x4096xf32> to vector<256xf32>
    %broadcast_in_dim3A_252 = vector.shape_cast %reduce_min3A_251 : vector<256xf32> to vector<256x1xf32>
    %concatenate3A = tpu.concatenate %broadcast_in_dim3A_42, %broadcast_in_dim3A_56, %broadcast_in_dim3A_70, %broadcast_in_dim3A_84, %broadcast_in_dim3A_98, %broadcast_in_dim3A_112, %broadcast_in_dim3A_126, %broadcast_in_dim3A_140, %broadcast_in_dim3A_154, %broadcast_in_dim3A_168, %broadcast_in_dim3A_182, %broadcast_in_dim3A_196, %broadcast_in_dim3A_210, %broadcast_in_dim3A_224, %broadcast_in_dim3A_238, %broadcast_in_dim3A_252 in 1 : vector<256x1xf32>, vector<256x1xf32>, vector<256x1xf32>, vector<256x1xf32>, vector<256x1xf32>, vector<256x1xf32>, vector<256x1xf32>, vector<256x1xf32>, vector<256x1xf32>, vector<256x1xf32>, vector<256x1xf32>, vector<256x1xf32>, vector<256x1xf32>, vector<256x1xf32>, vector<256x1xf32>, vector<256x1xf32> -> vector<256x16xf32>
    %convert_element_type3A_253 = arith.fptosi %concatenate3A : vector<256x16xf32> to vector<256x16xi32>
    %swap3A_254 = arith.constant 0 : index
    %swap3A_255 = arith.constant 0 : index
    %swap3A_256 = vector.load %arg5[%swap3A_254, %swap3A_255] : memref<256x16xi32, #tpu.memory_space<vmem>>, vector<256x16xi32>
    tpu.vector_store %arg5[%swap3A_254, %swap3A_255], %convert_element_type3A_253 {strides = array<i32>} : memref<256x16xi32, #tpu.memory_space<vmem>>, vector<256x16xi32>,
    return
  }
  func.func @transform_0(%arg0: i32) -> (i32, i32) {
    %c0_i32 = arith.constant 0 : i32
    %c0_i32_0 = arith.constant 0 : i32
    return %arg0, %c0_i32 : i32, i32
  }
  func.func @transform_1(%arg0: i32) -> (i32, i32) {
    %c0_i32 = arith.constant 0 : i32
    %c0_i32_0 = arith.constant 0 : i32
    %c0_i32_1 = arith.constant 0 : i32
    return %c0_i32, %c0_i32_0 : i32, i32
  }
  func.func @transform_2(%arg0: i32) -> (i32, i32) {
    %c0_i32 = arith.constant 0 : i32
    %c0_i32_0 = arith.constant 0 : i32
    return %arg0, %c0_i32 : i32, i32
  }
  func.func @transform_3(%arg0: i32) -> (i32, i32) {
    %c0_i32 = arith.constant 0 : i32
    %c0_i32_0 = arith.constant 0 : i32
    %c0_i32_1 = arith.constant 0 : i32
    return %c0_i32, %c0_i32_0 : i32, i32
  }
  func.func @transform_4(%arg0: i32) -> (i32, i32) {
    %c0_i32 = arith.constant 0 : i32
    %c0_i32_0 = arith.constant 0 : i32
    return %arg0, %c0_i32 : i32, i32
  }
}

module attributes {stable_mosaic.version = 14 : i64} {
  func.func @_att_kernel(%arg0: i32, %arg1: memref<2048x256xf32, #tpu.memory_space<vmem>>, %arg2: memref<2048x256xf32, #tpu.memory_space<vmem>>, %arg3: memref<128x128xf32, #tpu.memory_space<vmem>>, %arg4: memref<128x128xf32, #tpu.memory_space<vmem>>, %arg5: memref<2048x1xf32, #tpu.memory_space<vmem>>, %arg6: memref<128x128xf32, #tpu.memory_space<vmem>>, %arg7: memref<1x128xf32, #tpu.memory_space<vmem>>, %arg8: memref<128x128xf32, #tpu.memory_space<vmem>>, %arg9: memref<1x128xf32, #tpu.memory_space<vmem>>, %arg10: memref<1x128xf32, #tpu.memory_space<vmem>>, %arg11: memref<128x128xf32, #tpu.memory_space<vmem>>, %arg12: memref<1x128xf32, #tpu.memory_space<vmem>>, %arg13: memref<128x128xf32, #tpu.memory_space<vmem>>, %arg14: memref<1x128xf32, #tpu.memory_space<vmem>>, %arg15: memref<128x128xf32, #tpu.memory_space<vmem>>, %arg16: memref<1x128xf32, #tpu.memory_space<vmem>>, %arg17: memref<128x128xf32, #tpu.memory_space<vmem>>, %arg18: memref<1x128xf32, #tpu.memory_space<vmem>>, %arg19: memref<128x128xf32, #tpu.memory_space<vmem>>, %arg20: memref<1x128xf32, #tpu.memory_space<vmem>>, %arg21: memref<1x128xf32, #tpu.memory_space<vmem>>) attributes {dimension_semantics = [#tpu.dimension_semantics<arbitrary>], iteration_bounds = array<i64: 32>, scalar_prefetch = 0 : i64, scratch_operands = 0 : i64, tpu.core_type = #tpu.core_type<tc>, window_params = [{transform_indices = @transform_0, window_bounds = array<i64: 2048, 256>}, {transform_indices = @transform_1, window_bounds = array<i64: 2048, 256>}, {transform_indices = @transform_2, window_bounds = array<i64: 128, 128>}, {transform_indices = @transform_3, window_bounds = array<i64: 128, 128>}, {transform_indices = @transform_4, window_bounds = array<i64: 2048, 1>}, {pipeline_mode = #tpu.pipeline_mode<synchronous>, transform_indices = @transform_5, window_bounds = array<i64: 128, 128>}, {pipeline_mode = #tpu.pipeline_mode<synchronous>, transform_indices = @transform_6, window_bounds = array<i64: 1, 128>}, {pipeline_mode = #tpu.pipeline_mode<synchronous>, transform_indices = @transform_7, window_bounds = array<i64: 128, 128>}, {pipeline_mode = #tpu.pipeline_mode<synchronous>, transform_indices = @transform_8, window_bounds = array<i64: 1, 128>}, {pipeline_mode = #tpu.pipeline_mode<synchronous>, transform_indices = @transform_9, window_bounds = array<i64: 1, 128>}, {pipeline_mode = #tpu.pipeline_mode<synchronous>, transform_indices = @transform_10, window_bounds = array<i64: 128, 128>}, {pipeline_mode = #tpu.pipeline_mode<synchronous>, transform_indices = @transform_11, window_bounds = array<i64: 1, 128>}, {pipeline_mode = #tpu.pipeline_mode<synchronous>, transform_indices = @transform_12, window_bounds = array<i64: 128, 128>}, {pipeline_mode = #tpu.pipeline_mode<synchronous>, transform_indices = @transform_13, window_bounds = array<i64: 1, 128>}, {pipeline_mode = #tpu.pipeline_mode<synchronous>, transform_indices = @transform_14, window_bounds = array<i64: 128, 128>}, {pipeline_mode = #tpu.pipeline_mode<synchronous>, transform_indices = @transform_15, window_bounds = array<i64: 1, 128>}, {pipeline_mode = #tpu.pipeline_mode<synchronous>, transform_indices = @transform_16, window_bounds = array<i64: 128, 128>}, {pipeline_mode = #tpu.pipeline_mode<synchronous>, transform_indices = @transform_17, window_bounds = array<i64: 1, 128>}, {transform_indices = @transform_18, window_bounds = array<i64: 128, 128>}, {pipeline_mode = #tpu.pipeline_mode<synchronous>, transform_indices = @transform_19, window_bounds = array<i64: 1, 128>}, {pipeline_mode = #tpu.pipeline_mode<synchronous>, transform_indices = @transform_20, window_bounds = array<i64: 1, 128>}]} {
    %get3A = arith.constant 0 : index
    %get3A_0 = arith.constant 0 : index
    %get3A_1 = vector.load %arg3[%get3A, %get3A_0] : memref<128x128xf32, #tpu.memory_space<vmem>>, vector<128x128xf32>
    %broadcast_in_dim3A = vector.shape_cast %get3A_1 : vector<128x128xf32> to vector<128x1x128xf32>
    %broadcast_in_dim3A_2 = vector.shape_cast %broadcast_in_dim3A : vector<128x1x128xf32> to vector<128x1x128xf32>
    %broadcast_in_dim3A_3 = vector.broadcast %broadcast_in_dim3A_2 : vector<128x1x128xf32> to vector<128x16x128xf32>
    %reshape3A = vector.shape_cast %broadcast_in_dim3A_3 : vector<128x16x128xf32> to vector<2048x128xf32>
    %get3A_4 = arith.constant 0 : index
    %get3A_5 = arith.constant 0 : index
    %get3A_6 = vector.load %arg4[%get3A_4, %get3A_5] : memref<128x128xf32, #tpu.memory_space<vmem>>, vector<128x128xf32>
    %broadcast_in_dim3A_7 = vector.shape_cast %get3A_6 : vector<128x128xf32> to vector<128x1x128xf32>
    %broadcast_in_dim3A_8 = vector.shape_cast %broadcast_in_dim3A_7 : vector<128x1x128xf32> to vector<128x1x128xf32>
    %broadcast_in_dim3A_9 = vector.broadcast %broadcast_in_dim3A_8 : vector<128x1x128xf32> to vector<128x16x128xf32>
    %reshape3A_10 = vector.shape_cast %broadcast_in_dim3A_9 : vector<128x16x128xf32> to vector<2048x128xf32>
    %get3A_11 = arith.constant 0 : index
    %get3A_12 = arith.constant 0 : index
    %get3A_13 = vector.load %arg1[%get3A_11, %get3A_12] : memref<2048x256xf32, #tpu.memory_space<vmem>>, vector<2048x128xf32>
    %get3A_14 = arith.constant 0 : index
    %get3A_15 = arith.constant 128 : index
    %get3A_16 = vector.load %arg1[%get3A_14, %get3A_15] : memref<2048x256xf32, #tpu.memory_space<vmem>>, vector<2048x128xf32>
    %get3A_17 = arith.constant 0 : index
    %get3A_18 = arith.constant 0 : index
    %get3A_19 = vector.load %arg6[%get3A_17, %get3A_18] : memref<128x128xf32, #tpu.memory_space<vmem>>, vector<128x128xf32>
    %dot_general3A = arith.constant dense<0.000000e+00> : vector<2048x128xf32>
    %dot_general3A_20 = tpu.matmul %get3A_13, %get3A_19, %dot_general3A {dimension_numbers = #tpu.dot_dimension_numbers<[1], [0], [0], [1], [0, 0, 1, 1], [], []>, transpose_lhs_hint = false} : vector<2048x128xf32>, vector<128x128xf32>, vector<2048x128xf32> -> vector<2048x128xf32>
    %get3A_21 = arith.constant 0 : index
    %get3A_22 = arith.constant 0 : index
    %get3A_23 = vector.load %arg7[%get3A_21, %get3A_22] : memref<1x128xf32, #tpu.memory_space<vmem>>, vector<1x128xf32>
    %add3A = vector.broadcast %get3A_23 : vector<1x128xf32> to vector<2048x128xf32>
    %add3A_24 = arith.addf %dot_general3A_20, %add3A : vector<2048x128xf32>
    %get3A_25 = arith.constant 0 : index
    %get3A_26 = arith.constant 0 : index
    %get3A_27 = vector.load %arg8[%get3A_25, %get3A_26] : memref<128x128xf32, #tpu.memory_space<vmem>>, vector<128x128xf32>
    %dot_general3A_28 = arith.constant dense<0.000000e+00> : vector<2048x128xf32>
    %dot_general3A_29 = tpu.matmul %get3A_13, %get3A_27, %dot_general3A_28 {dimension_numbers = #tpu.dot_dimension_numbers<[1], [0], [0], [1], [0, 0, 1, 1], [], []>, transpose_lhs_hint = false} : vector<2048x128xf32>, vector<128x128xf32>, vector<2048x128xf32> -> vector<2048x128xf32>
    %get3A_30 = arith.constant 0 : index
    %get3A_31 = arith.constant 0 : index
    %get3A_32 = vector.load %arg9[%get3A_30, %get3A_31] : memref<1x128xf32, #tpu.memory_space<vmem>>, vector<1x128xf32>
    %add3A_33 = vector.broadcast %get3A_32 : vector<1x128xf32> to vector<2048x128xf32>
    %add3A_34 = arith.addf %dot_general3A_29, %add3A_33 : vector<2048x128xf32>
    %sub3A = arith.subf %get3A_16, %reshape3A : vector<2048x128xf32>
    %get3A_35 = arith.constant 0 : index
    %get3A_36 = arith.constant 0 : index
    %get3A_37 = vector.load %arg10[%get3A_35, %get3A_36] : memref<1x128xf32, #tpu.memory_space<vmem>>, vector<1x128xf32>
    %add3A_38 = vector.broadcast %get3A_37 : vector<1x128xf32> to vector<2048x128xf32>
    %add3A_39 = arith.addf %sub3A, %add3A_38 : vector<2048x128xf32>
    %max3A = arith.constant 0.000000e+00 : f32
    %max3A_40 = vector.broadcast %max3A : f32 to vector<2048x128xf32>
    %max3A_41 = arith.maximumf %add3A_39, %max3A_40 : vector<2048x128xf32>
    %get3A_42 = arith.constant 0 : index
    %get3A_43 = arith.constant 0 : index
    %get3A_44 = vector.load %arg11[%get3A_42, %get3A_43] : memref<128x128xf32, #tpu.memory_space<vmem>>, vector<128x128xf32>
    %dot_general3A_45 = arith.constant dense<0.000000e+00> : vector<2048x128xf32>
    %dot_general3A_46 = tpu.matmul %max3A_41, %get3A_44, %dot_general3A_45 {dimension_numbers = #tpu.dot_dimension_numbers<[1], [0], [0], [1], [0, 0, 1, 1], [], []>, transpose_lhs_hint = false} : vector<2048x128xf32>, vector<128x128xf32>, vector<2048x128xf32> -> vector<2048x128xf32>
    %get3A_47 = arith.constant 0 : index
    %get3A_48 = arith.constant 0 : index
    %get3A_49 = vector.load %arg12[%get3A_47, %get3A_48] : memref<1x128xf32, #tpu.memory_space<vmem>>, vector<1x128xf32>
    %add3A_50 = vector.broadcast %get3A_49 : vector<1x128xf32> to vector<2048x128xf32>
    %add3A_51 = arith.addf %dot_general3A_46, %add3A_50 : vector<2048x128xf32>
    %sub3A_52 = arith.subf %reshape3A_10, %add3A_24 : vector<2048x128xf32>
    %add3A_53 = arith.addf %sub3A_52, %add3A_51 : vector<2048x128xf32>
    %get3A_54 = arith.constant 0 : index
    %get3A_55 = arith.constant 0 : index
    %get3A_56 = vector.load %arg13[%get3A_54, %get3A_55] : memref<128x128xf32, #tpu.memory_space<vmem>>, vector<128x128xf32>
    %dot_general3A_57 = arith.constant dense<0.000000e+00> : vector<2048x128xf32>
    %dot_general3A_58 = tpu.matmul %add3A_53, %get3A_56, %dot_general3A_57 {dimension_numbers = #tpu.dot_dimension_numbers<[1], [0], [0], [1], [0, 0, 1, 1], [], []>, transpose_lhs_hint = false} : vector<2048x128xf32>, vector<128x128xf32>, vector<2048x128xf32> -> vector<2048x128xf32>
    %get3A_59 = arith.constant 0 : index
    %get3A_60 = arith.constant 0 : index
    %get3A_61 = vector.load %arg14[%get3A_59, %get3A_60] : memref<1x128xf32, #tpu.memory_space<vmem>>, vector<1x128xf32>
    %add3A_62 = vector.broadcast %get3A_61 : vector<1x128xf32> to vector<2048x128xf32>
    %add3A_63 = arith.addf %dot_general3A_58, %add3A_62 : vector<2048x128xf32>
    %max3A_64 = arith.constant 0.000000e+00 : f32
    %max3A_65 = vector.broadcast %max3A_64 : f32 to vector<2048x128xf32>
    %max3A_66 = arith.maximumf %add3A_63, %max3A_65 : vector<2048x128xf32>
    %get3A_67 = arith.constant 0 : index
    %get3A_68 = arith.constant 0 : index
    %get3A_69 = vector.load %arg15[%get3A_67, %get3A_68] : memref<128x128xf32, #tpu.memory_space<vmem>>, vector<128x128xf32>
    %dot_general3A_70 = arith.constant dense<0.000000e+00> : vector<2048x128xf32>
    %dot_general3A_71 = tpu.matmul %max3A_66, %get3A_69, %dot_general3A_70 {dimension_numbers = #tpu.dot_dimension_numbers<[1], [0], [0], [1], [0, 0, 1, 1], [], []>, transpose_lhs_hint = false} : vector<2048x128xf32>, vector<128x128xf32>, vector<2048x128xf32> -> vector<2048x128xf32>
    %get3A_72 = arith.constant 0 : index
    %get3A_73 = arith.constant 0 : index
    %get3A_74 = vector.load %arg16[%get3A_72, %get3A_73] : memref<1x128xf32, #tpu.memory_space<vmem>>, vector<1x128xf32>
    %add3A_75 = vector.broadcast %get3A_74 : vector<1x128xf32> to vector<2048x128xf32>
    %add3A_76 = arith.addf %dot_general3A_71, %add3A_75 : vector<2048x128xf32>
    %get3A_77 = arith.constant 0 : index
    %get3A_78 = arith.constant 0 : index
    %get3A_79 = vector.load %arg2[%get3A_77, %get3A_78] : memref<2048x256xf32, #tpu.memory_space<vmem>>, vector<2048x128xf32>
    %get3A_80 = arith.constant 0 : index
    %get3A_81 = arith.constant 128 : index
    %get3A_82 = vector.load %arg2[%get3A_80, %get3A_81] : memref<2048x256xf32, #tpu.memory_space<vmem>>, vector<2048x128xf32>
    %get3A_83 = arith.constant 0 : index
    %get3A_84 = arith.constant 0 : index
    %get3A_85 = vector.load %arg6[%get3A_83, %get3A_84] : memref<128x128xf32, #tpu.memory_space<vmem>>, vector<128x128xf32>
    %dot_general3A_86 = arith.constant dense<0.000000e+00> : vector<2048x128xf32>
    %dot_general3A_87 = tpu.matmul %get3A_79, %get3A_85, %dot_general3A_86 {dimension_numbers = #tpu.dot_dimension_numbers<[1], [0], [0], [1], [0, 0, 1, 1], [], []>, transpose_lhs_hint = false} : vector<2048x128xf32>, vector<128x128xf32>, vector<2048x128xf32> -> vector<2048x128xf32>
    %get3A_88 = arith.constant 0 : index
    %get3A_89 = arith.constant 0 : index
    %get3A_90 = vector.load %arg7[%get3A_88, %get3A_89] : memref<1x128xf32, #tpu.memory_space<vmem>>, vector<1x128xf32>
    %add3A_91 = vector.broadcast %get3A_90 : vector<1x128xf32> to vector<2048x128xf32>
    %add3A_92 = arith.addf %dot_general3A_87, %add3A_91 : vector<2048x128xf32>
    %get3A_93 = arith.constant 0 : index
    %get3A_94 = arith.constant 0 : index
    %get3A_95 = vector.load %arg8[%get3A_93, %get3A_94] : memref<128x128xf32, #tpu.memory_space<vmem>>, vector<128x128xf32>
    %dot_general3A_96 = arith.constant dense<0.000000e+00> : vector<2048x128xf32>
    %dot_general3A_97 = tpu.matmul %get3A_79, %get3A_95, %dot_general3A_96 {dimension_numbers = #tpu.dot_dimension_numbers<[1], [0], [0], [1], [0, 0, 1, 1], [], []>, transpose_lhs_hint = false} : vector<2048x128xf32>, vector<128x128xf32>, vector<2048x128xf32> -> vector<2048x128xf32>
    %get3A_98 = arith.constant 0 : index
    %get3A_99 = arith.constant 0 : index
    %get3A_100 = vector.load %arg9[%get3A_98, %get3A_99] : memref<1x128xf32, #tpu.memory_space<vmem>>, vector<1x128xf32>
    %add3A_101 = vector.broadcast %get3A_100 : vector<1x128xf32> to vector<2048x128xf32>
    %add3A_102 = arith.addf %dot_general3A_97, %add3A_101 : vector<2048x128xf32>
    %sub3A_103 = arith.subf %get3A_82, %reshape3A : vector<2048x128xf32>
    %get3A_104 = arith.constant 0 : index
    %get3A_105 = arith.constant 0 : index
    %get3A_106 = vector.load %arg10[%get3A_104, %get3A_105] : memref<1x128xf32, #tpu.memory_space<vmem>>, vector<1x128xf32>
    %add3A_107 = vector.broadcast %get3A_106 : vector<1x128xf32> to vector<2048x128xf32>
    %add3A_108 = arith.addf %sub3A_103, %add3A_107 : vector<2048x128xf32>
    %max3A_109 = arith.constant 0.000000e+00 : f32
    %max3A_110 = vector.broadcast %max3A_109 : f32 to vector<2048x128xf32>
    %max3A_111 = arith.maximumf %add3A_108, %max3A_110 : vector<2048x128xf32>
    %get3A_112 = arith.constant 0 : index
    %get3A_113 = arith.constant 0 : index
    %get3A_114 = vector.load %arg11[%get3A_112, %get3A_113] : memref<128x128xf32, #tpu.memory_space<vmem>>, vector<128x128xf32>
    %dot_general3A_115 = arith.constant dense<0.000000e+00> : vector<2048x128xf32>
    %dot_general3A_116 = tpu.matmul %max3A_111, %get3A_114, %dot_general3A_115 {dimension_numbers = #tpu.dot_dimension_numbers<[1], [0], [0], [1], [0, 0, 1, 1], [], []>, transpose_lhs_hint = false} : vector<2048x128xf32>, vector<128x128xf32>, vector<2048x128xf32> -> vector<2048x128xf32>
    %get3A_117 = arith.constant 0 : index
    %get3A_118 = arith.constant 0 : index
    %get3A_119 = vector.load %arg12[%get3A_117, %get3A_118] : memref<1x128xf32, #tpu.memory_space<vmem>>, vector<1x128xf32>
    %add3A_120 = vector.broadcast %get3A_119 : vector<1x128xf32> to vector<2048x128xf32>
    %add3A_121 = arith.addf %dot_general3A_116, %add3A_120 : vector<2048x128xf32>
    %sub3A_122 = arith.subf %reshape3A_10, %add3A_92 : vector<2048x128xf32>
    %add3A_123 = arith.addf %sub3A_122, %add3A_121 : vector<2048x128xf32>
    %get3A_124 = arith.constant 0 : index
    %get3A_125 = arith.constant 0 : index
    %get3A_126 = vector.load %arg13[%get3A_124, %get3A_125] : memref<128x128xf32, #tpu.memory_space<vmem>>, vector<128x128xf32>
    %dot_general3A_127 = arith.constant dense<0.000000e+00> : vector<2048x128xf32>
    %dot_general3A_128 = tpu.matmul %add3A_123, %get3A_126, %dot_general3A_127 {dimension_numbers = #tpu.dot_dimension_numbers<[1], [0], [0], [1], [0, 0, 1, 1], [], []>, transpose_lhs_hint = false} : vector<2048x128xf32>, vector<128x128xf32>, vector<2048x128xf32> -> vector<2048x128xf32>
    %get3A_129 = arith.constant 0 : index
    %get3A_130 = arith.constant 0 : index
    %get3A_131 = vector.load %arg14[%get3A_129, %get3A_130] : memref<1x128xf32, #tpu.memory_space<vmem>>, vector<1x128xf32>
    %add3A_132 = vector.broadcast %get3A_131 : vector<1x128xf32> to vector<2048x128xf32>
    %add3A_133 = arith.addf %dot_general3A_128, %add3A_132 : vector<2048x128xf32>
    %max3A_134 = arith.constant 0.000000e+00 : f32
    %max3A_135 = vector.broadcast %max3A_134 : f32 to vector<2048x128xf32>
    %max3A_136 = arith.maximumf %add3A_133, %max3A_135 : vector<2048x128xf32>
    %get3A_137 = arith.constant 0 : index
    %get3A_138 = arith.constant 0 : index
    %get3A_139 = vector.load %arg15[%get3A_137, %get3A_138] : memref<128x128xf32, #tpu.memory_space<vmem>>, vector<128x128xf32>
    %dot_general3A_140 = arith.constant dense<0.000000e+00> : vector<2048x128xf32>
    %dot_general3A_141 = tpu.matmul %max3A_136, %get3A_139, %dot_general3A_140 {dimension_numbers = #tpu.dot_dimension_numbers<[1], [0], [0], [1], [0, 0, 1, 1], [], []>, transpose_lhs_hint = false} : vector<2048x128xf32>, vector<128x128xf32>, vector<2048x128xf32> -> vector<2048x128xf32>
    %get3A_142 = arith.constant 0 : index
    %get3A_143 = arith.constant 0 : index
    %get3A_144 = vector.load %arg16[%get3A_142, %get3A_143] : memref<1x128xf32, #tpu.memory_space<vmem>>, vector<1x128xf32>
    %add3A_145 = vector.broadcast %get3A_144 : vector<1x128xf32> to vector<2048x128xf32>
    %add3A_146 = arith.addf %dot_general3A_141, %add3A_145 : vector<2048x128xf32>
    %reshape3A_147 = vector.shape_cast %add3A_76 : vector<2048x128xf32> to vector<128x16x128xf32>
    %reduce_max3A = arith.constant dense<0xFF800000> : vector<128x128xf32>
    %reduce_max3A_148 = vector.multi_reduction <maximumf>, %reshape3A_147, %reduce_max3A [1] : vector<128x16x128xf32> to vector<128x128xf32>
    %reshape3A_149 = vector.shape_cast %add3A_146 : vector<2048x128xf32> to vector<128x16x128xf32>
    %reduce_max3A_150 = arith.constant dense<0xFF800000> : vector<128x128xf32>
    %reduce_max3A_151 = vector.multi_reduction <maximumf>, %reshape3A_149, %reduce_max3A_150 [1] : vector<128x16x128xf32> to vector<128x128xf32>
    %max3A_152 = arith.maximumf %reduce_max3A_148, %reduce_max3A_151 : vector<128x128xf32>
    %broadcast_in_dim3A_153 = vector.shape_cast %max3A_152 : vector<128x128xf32> to vector<128x1x128xf32>
    %broadcast_in_dim3A_154 = vector.shape_cast %broadcast_in_dim3A_153 : vector<128x1x128xf32> to vector<128x1x128xf32>
    %broadcast_in_dim3A_155 = vector.broadcast %broadcast_in_dim3A_154 : vector<128x1x128xf32> to vector<128x16x128xf32>
    %reshape3A_156 = vector.shape_cast %broadcast_in_dim3A_155 : vector<128x16x128xf32> to vector<2048x128xf32>
    %sub3A_157 = arith.subf %add3A_76, %reshape3A_156 : vector<2048x128xf32>
    %exp3A = math.exp %sub3A_157 : vector<2048x128xf32>
    %get3A_158 = arith.constant 0 : index
    %get3A_159 = arith.constant 0 : index
    %get3A_160 = vector.load %arg5[%get3A_158, %get3A_159] : memref<2048x1xf32, #tpu.memory_space<vmem>>, vector<2048x1xf32>
    %mul3A = vector.broadcast %get3A_160 : vector<2048x1xf32> to vector<2048x128xf32>
    %mul3A_161 = arith.mulf %exp3A, %mul3A : vector<2048x128xf32>
    %sub3A_162 = arith.subf %add3A_146, %reshape3A_156 : vector<2048x128xf32>
    %exp3A_163 = math.exp %sub3A_162 : vector<2048x128xf32>
    %reshape3A_164 = vector.shape_cast %mul3A_161 : vector<2048x128xf32> to vector<128x16x128xf32>
    %reduce_sum3A = arith.constant dense<0.000000e+00> : vector<128x128xf32>
    %reduce_sum3A_165 = vector.multi_reduction <add>, %reshape3A_164, %reduce_sum3A [1] : vector<128x16x128xf32> to vector<128x128xf32>
    %reshape3A_166 = vector.shape_cast %exp3A_163 : vector<2048x128xf32> to vector<128x16x128xf32>
    %reduce_sum3A_167 = arith.constant dense<0.000000e+00> : vector<128x128xf32>
    %reduce_sum3A_168 = vector.multi_reduction <add>, %reshape3A_166, %reduce_sum3A_167 [1] : vector<128x16x128xf32> to vector<128x128xf32>
    %add3A_169 = arith.addf %reduce_sum3A_165, %reduce_sum3A_168 : vector<128x128xf32>
    %add3A_170 = arith.addf %add3A_34, %add3A_51 : vector<2048x128xf32>
    %mul3A_171 = arith.mulf %mul3A_161, %add3A_170 : vector<2048x128xf32>
    %add3A_172 = arith.addf %add3A_102, %add3A_121 : vector<2048x128xf32>
    %mul3A_173 = arith.mulf %exp3A_163, %add3A_172 : vector<2048x128xf32>
    %reshape3A_174 = vector.shape_cast %mul3A_171 : vector<2048x128xf32> to vector<128x16x128xf32>
    %reduce_sum3A_175 = arith.constant dense<0.000000e+00> : vector<128x128xf32>
    %reduce_sum3A_176 = vector.multi_reduction <add>, %reshape3A_174, %reduce_sum3A_175 [1] : vector<128x16x128xf32> to vector<128x128xf32>
    %reshape3A_177 = vector.shape_cast %mul3A_173 : vector<2048x128xf32> to vector<128x16x128xf32>
    %reduce_sum3A_178 = arith.constant dense<0.000000e+00> : vector<128x128xf32>
    %reduce_sum3A_179 = vector.multi_reduction <add>, %reshape3A_177, %reduce_sum3A_178 [1] : vector<128x16x128xf32> to vector<128x128xf32>
    %add3A_180 = arith.addf %reduce_sum3A_176, %reduce_sum3A_179 : vector<128x128xf32>
    %add3A_181 = arith.constant 1.000000e-16 : f32
    %add3A_182 = vector.broadcast %add3A_181 : f32 to vector<128x128xf32>
    %add3A_183 = arith.addf %add3A_169, %add3A_182 : vector<128x128xf32>
    %div3A = arith.divf %add3A_180, %add3A_183 : vector<128x128xf32>
    %get3A_184 = arith.constant 0 : index
    %get3A_185 = arith.constant 0 : index
    %get3A_186 = vector.load %arg17[%get3A_184, %get3A_185] : memref<128x128xf32, #tpu.memory_space<vmem>>, vector<128x128xf32>
    %dot_general3A_187 = arith.constant dense<0.000000e+00> : vector<128x128xf32>
    %dot_general3A_188 = tpu.matmul %div3A, %get3A_186, %dot_general3A_187 {dimension_numbers = #tpu.dot_dimension_numbers<[1], [0], [0], [1], [0, 0, 1, 1], [], []>, transpose_lhs_hint = false} : vector<128x128xf32>, vector<128x128xf32>, vector<128x128xf32> -> vector<128x128xf32>
    %get3A_189 = arith.constant 0 : index
    %get3A_190 = arith.constant 0 : index
    %get3A_191 = vector.load %arg18[%get3A_189, %get3A_190] : memref<1x128xf32, #tpu.memory_space<vmem>>, vector<1x128xf32>
    %add3A_192 = vector.broadcast %get3A_191 : vector<1x128xf32> to vector<128x128xf32>
    %add3A_193 = arith.addf %dot_general3A_188, %add3A_192 : vector<128x128xf32>
    %swap3A = arith.constant 0 : index
    %swap3A_194 = arith.constant 0 : index
    %swap3A_195 = vector.load %arg19[%swap3A, %swap3A_194] : memref<128x128xf32, #tpu.memory_space<vmem>>, vector<128x128xf32>
    tpu.vector_store %arg19[%swap3A, %swap3A_194], %add3A_193 {strides = array<i32>} : memref<128x128xf32, #tpu.memory_space<vmem>>, vector<128x128xf32>,
    %eq3A = arith.constant 0 : i32
    %eq3A_196 = arith.cmpi eq, %arg0, %eq3A : i32
    %convert_element_type3A = arith.extui %eq3A_196 : i1 to i32
    %cond3A = arith.constant 0 : i32
    %cond3A_197 = arith.cmpi ne, %convert_element_type3A, %cond3A : i32
    scf.if %cond3A_197 {
      %broadcast_in_dim3A_219 = arith.constant 0.000000e+00 : f32
      %broadcast_in_dim3A_220 = vector.broadcast %broadcast_in_dim3A_219 : f32 to vector<1x128xf32>
      %swap3A_221 = arith.constant 0 : index
      %swap3A_222 = arith.constant 0 : index
      %swap3A_223 = vector.load %arg20[%swap3A_221, %swap3A_222] : memref<1x128xf32, #tpu.memory_space<vmem>>, vector<1x128xf32>
      tpu.vector_store %arg20[%swap3A_221, %swap3A_222], %broadcast_in_dim3A_220 {strides = array<i32>} : memref<1x128xf32, #tpu.memory_space<vmem>>, vector<1x128xf32>,
      %broadcast_in_dim3A_224 = arith.constant 0.000000e+00 : f32
      %broadcast_in_dim3A_225 = vector.broadcast %broadcast_in_dim3A_224 : f32 to vector<1x128xf32>
      %swap3A_226 = arith.constant 0 : index
      %swap3A_227 = arith.constant 0 : index
      %swap3A_228 = vector.load %arg21[%swap3A_226, %swap3A_227] : memref<1x128xf32, #tpu.memory_space<vmem>>, vector<1x128xf32>
      tpu.vector_store %arg21[%swap3A_226, %swap3A_227], %broadcast_in_dim3A_225 {strides = array<i32>} : memref<1x128xf32, #tpu.memory_space<vmem>>, vector<1x128xf32>,
    } else {
    }
    %get3A_198 = arith.constant 0 : index
    %get3A_199 = arith.constant 0 : index
    %get3A_200 = vector.load %arg20[%get3A_198, %get3A_199] : memref<1x128xf32, #tpu.memory_space<vmem>>, vector<1x128xf32>
    %reduce_sum3A_201 = arith.constant dense<0.000000e+00> : vector<128xf32>
    %reduce_sum3A_202 = vector.multi_reduction <add>, %add3A_193, %reduce_sum3A_201 [0] : vector<128x128xf32> to vector<128xf32>
    %broadcast_in_dim3A_203 = vector.shape_cast %reduce_sum3A_202 : vector<128xf32> to vector<1x128xf32>
    %add3A_204 = arith.addf %get3A_200, %broadcast_in_dim3A_203 : vector<1x128xf32>
    %swap3A_205 = arith.constant 0 : index
    %swap3A_206 = arith.constant 0 : index
    %swap3A_207 = vector.load %arg20[%swap3A_205, %swap3A_206] : memref<1x128xf32, #tpu.memory_space<vmem>>, vector<1x128xf32>
    tpu.vector_store %arg20[%swap3A_205, %swap3A_206], %add3A_204 {strides = array<i32>} : memref<1x128xf32, #tpu.memory_space<vmem>>, vector<1x128xf32>,
    %get3A_208 = arith.constant 0 : index
    %get3A_209 = arith.constant 0 : index
    %get3A_210 = vector.load %arg21[%get3A_208, %get3A_209] : memref<1x128xf32, #tpu.memory_space<vmem>>, vector<1x128xf32>
    %mul3A_211 = arith.mulf %add3A_193, %add3A_193 : vector<128x128xf32>
    %reduce_sum3A_212 = arith.constant dense<0.000000e+00> : vector<128xf32>
    %reduce_sum3A_213 = vector.multi_reduction <add>, %mul3A_211, %reduce_sum3A_212 [0] : vector<128x128xf32> to vector<128xf32>
    %broadcast_in_dim3A_214 = vector.shape_cast %reduce_sum3A_213 : vector<128xf32> to vector<1x128xf32>
    %add3A_215 = arith.addf %get3A_210, %broadcast_in_dim3A_214 : vector<1x128xf32>
    %swap3A_216 = arith.constant 0 : index
    %swap3A_217 = arith.constant 0 : index
    %swap3A_218 = vector.load %arg21[%swap3A_216, %swap3A_217] : memref<1x128xf32, #tpu.memory_space<vmem>>, vector<1x128xf32>
    tpu.vector_store %arg21[%swap3A_216, %swap3A_217], %add3A_215 {strides = array<i32>} : memref<1x128xf32, #tpu.memory_space<vmem>>, vector<1x128xf32>,
    return
  }
  func.func @transform_0(%arg0: i32) -> (i32, i32) {
    %c0_i32 = arith.constant 0 : i32
    %c0_i32_0 = arith.constant 0 : i32
    return %arg0, %c0_i32 : i32, i32
  }
  func.func @transform_1(%arg0: i32) -> (i32, i32) {
    %c0_i32 = arith.constant 0 : i32
    %c0_i32_0 = arith.constant 0 : i32
    return %arg0, %c0_i32 : i32, i32
  }
  func.func @transform_2(%arg0: i32) -> (i32, i32) {
    %c1_i32 = arith.constant 1 : i32
    %c0_i32 = arith.constant 0 : i32
    return %arg0, %c1_i32 : i32, i32
  }
  func.func @transform_3(%arg0: i32) -> (i32, i32) {
    %c0_i32 = arith.constant 0 : i32
    %c0_i32_0 = arith.constant 0 : i32
    return %arg0, %c0_i32 : i32, i32
  }
  func.func @transform_4(%arg0: i32) -> (i32, i32) {
    %c0_i32 = arith.constant 0 : i32
    %c0_i32_0 = arith.constant 0 : i32
    return %arg0, %c0_i32 : i32, i32
  }
  func.func @transform_5(%arg0: i32) -> (i32, i32) {
    %c0_i32 = arith.constant 0 : i32
    %c0_i32_0 = arith.constant 0 : i32
    %c0_i32_1 = arith.constant 0 : i32
    return %c0_i32, %c0_i32_0 : i32, i32
  }
  func.func @transform_6(%arg0: i32) -> (i32, i32) {
    %c0_i32 = arith.constant 0 : i32
    %c0_i32_0 = arith.constant 0 : i32
    %c0_i32_1 = arith.constant 0 : i32
    return %c0_i32, %c0_i32_0 : i32, i32
  }
  func.func @transform_7(%arg0: i32) -> (i32, i32) {
    %c0_i32 = arith.constant 0 : i32
    %c0_i32_0 = arith.constant 0 : i32
    %c0_i32_1 = arith.constant 0 : i32
    return %c0_i32, %c0_i32_0 : i32, i32
  }
  func.func @transform_8(%arg0: i32) -> (i32, i32) {
    %c0_i32 = arith.constant 0 : i32
    %c0_i32_0 = arith.constant 0 : i32
    %c0_i32_1 = arith.constant 0 : i32
    return %c0_i32, %c0_i32_0 : i32, i32
  }
  func.func @transform_9(%arg0: i32) -> (i32, i32) {
    %c0_i32 = arith.constant 0 : i32
    %c0_i32_0 = arith.constant 0 : i32
    %c0_i32_1 = arith.constant 0 : i32
    return %c0_i32, %c0_i32_0 : i32, i32
  }
  func.func @transform_10(%arg0: i32) -> (i32, i32) {
    %c0_i32 = arith.constant 0 : i32
    %c0_i32_0 = arith.constant 0 : i32
    %c0_i32_1 = arith.constant 0 : i32
    return %c0_i32, %c0_i32_0 : i32, i32
  }
  func.func @transform_11(%arg0: i32) -> (i32, i32) {
    %c0_i32 = arith.constant 0 : i32
    %c0_i32_0 = arith.constant 0 : i32
    %c0_i32_1 = arith.constant 0 : i32
    return %c0_i32, %c0_i32_0 : i32, i32
  }
  func.func @transform_12(%arg0: i32) -> (i32, i32) {
    %c0_i32 = arith.constant 0 : i32
    %c0_i32_0 = arith.constant 0 : i32
    %c0_i32_1 = arith.constant 0 : i32
    return %c0_i32, %c0_i32_0 : i32, i32
  }
  func.func @transform_13(%arg0: i32) -> (i32, i32) {
    %c0_i32 = arith.constant 0 : i32
    %c0_i32_0 = arith.constant 0 : i32
    %c0_i32_1 = arith.constant 0 : i32
    return %c0_i32, %c0_i32_0 : i32, i32
  }
  func.func @transform_14(%arg0: i32) -> (i32, i32) {
    %c0_i32 = arith.constant 0 : i32
    %c0_i32_0 = arith.constant 0 : i32
    %c0_i32_1 = arith.constant 0 : i32
    return %c0_i32, %c0_i32_0 : i32, i32
  }
  func.func @transform_15(%arg0: i32) -> (i32, i32) {
    %c0_i32 = arith.constant 0 : i32
    %c0_i32_0 = arith.constant 0 : i32
    %c0_i32_1 = arith.constant 0 : i32
    return %c0_i32, %c0_i32_0 : i32, i32
  }
  func.func @transform_16(%arg0: i32) -> (i32, i32) {
    %c0_i32 = arith.constant 0 : i32
    %c0_i32_0 = arith.constant 0 : i32
    %c0_i32_1 = arith.constant 0 : i32
    return %c0_i32, %c0_i32_0 : i32, i32
  }
  func.func @transform_17(%arg0: i32) -> (i32, i32) {
    %c0_i32 = arith.constant 0 : i32
    %c0_i32_0 = arith.constant 0 : i32
    %c0_i32_1 = arith.constant 0 : i32
    return %c0_i32, %c0_i32_0 : i32, i32
  }
  func.func @transform_18(%arg0: i32) -> (i32, i32) {
    %c0_i32 = arith.constant 0 : i32
    %c0_i32_0 = arith.constant 0 : i32
    return %arg0, %c0_i32 : i32, i32
  }
  func.func @transform_19(%arg0: i32) -> (i32, i32) {
    %c0_i32 = arith.constant 0 : i32
    %c0_i32_0 = arith.constant 0 : i32
    %c0_i32_1 = arith.constant 0 : i32
    return %c0_i32, %c0_i32_0 : i32, i32
  }
  func.func @transform_20(%arg0: i32) -> (i32, i32) {
    %c0_i32 = arith.constant 0 : i32
    %c0_i32_0 = arith.constant 0 : i32
    %c0_i32_1 = arith.constant 0 : i32
    return %c0_i32, %c0_i32_0 : i32, i32
  }
}

module attributes {stable_mosaic.version = 14 : i64} {
  func.func @_pool_kernel(%arg0: i32, %arg1: memref<128x128xf32, #tpu.memory_space<vmem>>, %arg2: memref<4096x128xf32, #tpu.memory_space<vmem>>, %arg3: memref<1x128xf32, #tpu.memory_space<vmem>>, %arg4: memref<1x128xf32, #tpu.memory_space<vmem>>, %arg5: memref<128x128xf32, #tpu.memory_space<vmem>>) attributes {dimension_semantics = [#tpu.dimension_semantics<arbitrary>], iteration_bounds = array<i64: 32>, scalar_prefetch = 0 : i64, scratch_operands = 0 : i64, tpu.core_type = #tpu.core_type<tc>, window_params = [{transform_indices = @transform_0, window_bounds = array<i64: 128, 128>}, {transform_indices = @transform_1, window_bounds = array<i64: 4096, 128>}, {pipeline_mode = #tpu.pipeline_mode<synchronous>, transform_indices = @transform_2, window_bounds = array<i64: 1, 128>}, {pipeline_mode = #tpu.pipeline_mode<synchronous>, transform_indices = @transform_3, window_bounds = array<i64: 1, 128>}, {transform_indices = @transform_4, window_bounds = array<i64: 128, 128>}]} {
    %get3A = arith.constant 0 : index
    %get3A_0 = arith.constant 0 : index
    %get3A_1 = vector.load %arg2[%get3A, %get3A_0] : memref<4096x128xf32, #tpu.memory_space<vmem>>, vector<4096x128xf32>
    %reshape3A = vector.shape_cast %get3A_1 : vector<4096x128xf32> to vector<128x32x128xf32>
    %reduce_max3A = arith.constant dense<0xFF800000> : vector<128x128xf32>
    %reduce_max3A_2 = vector.multi_reduction <maximumf>, %reshape3A, %reduce_max3A [1] : vector<128x32x128xf32> to vector<128x128xf32>
    %get3A_3 = arith.constant 0 : index
    %get3A_4 = arith.constant 0 : index
    %get3A_5 = vector.load %arg1[%get3A_3, %get3A_4] : memref<128x128xf32, #tpu.memory_space<vmem>>, vector<128x128xf32>
    %max3A = arith.maximumf %get3A_5, %reduce_max3A_2 : vector<128x128xf32>
    %get3A_6 = arith.constant 0 : index
    %get3A_7 = arith.constant 0 : index
    %get3A_8 = vector.load %arg3[%get3A_6, %get3A_7] : memref<1x128xf32, #tpu.memory_space<vmem>>, vector<1x128xf32>
    %mul3A = vector.broadcast %get3A_8 : vector<1x128xf32> to vector<128x128xf32>
    %mul3A_9 = arith.mulf %max3A, %mul3A : vector<128x128xf32>
    %get3A_10 = arith.constant 0 : index
    %get3A_11 = arith.constant 0 : index
    %get3A_12 = vector.load %arg4[%get3A_10, %get3A_11] : memref<1x128xf32, #tpu.memory_space<vmem>>, vector<1x128xf32>
    %add3A = vector.broadcast %get3A_12 : vector<1x128xf32> to vector<128x128xf32>
    %add3A_13 = arith.addf %mul3A_9, %add3A : vector<128x128xf32>
    %max3A_14 = arith.constant 0.000000e+00 : f32
    %max3A_15 = vector.broadcast %max3A_14 : f32 to vector<128x128xf32>
    %max3A_16 = arith.maximumf %add3A_13, %max3A_15 : vector<128x128xf32>
    %swap3A = arith.constant 0 : index
    %swap3A_17 = arith.constant 0 : index
    %swap3A_18 = vector.load %arg5[%swap3A, %swap3A_17] : memref<128x128xf32, #tpu.memory_space<vmem>>, vector<128x128xf32>
    tpu.vector_store %arg5[%swap3A, %swap3A_17], %max3A_16 {strides = array<i32>} : memref<128x128xf32, #tpu.memory_space<vmem>>, vector<128x128xf32>,
    return
  }
  func.func @transform_0(%arg0: i32) -> (i32, i32) {
    %c0_i32 = arith.constant 0 : i32
    %c0_i32_0 = arith.constant 0 : i32
    return %arg0, %c0_i32 : i32, i32
  }
  func.func @transform_1(%arg0: i32) -> (i32, i32) {
    %c0_i32 = arith.constant 0 : i32
    %c0_i32_0 = arith.constant 0 : i32
    return %arg0, %c0_i32 : i32, i32
  }
  func.func @transform_2(%arg0: i32) -> (i32, i32) {
    %c0_i32 = arith.constant 0 : i32
    %c0_i32_0 = arith.constant 0 : i32
    %c0_i32_1 = arith.constant 0 : i32
    return %c0_i32, %c0_i32_0 : i32, i32
  }
  func.func @transform_3(%arg0: i32) -> (i32, i32) {
    %c0_i32 = arith.constant 0 : i32
    %c0_i32_0 = arith.constant 0 : i32
    %c0_i32_1 = arith.constant 0 : i32
    return %c0_i32, %c0_i32_0 : i32, i32
  }
  func.func @transform_4(%arg0: i32) -> (i32, i32) {
    %c0_i32 = arith.constant 0 : i32
    %c0_i32_0 = arith.constant 0 : i32
    return %arg0, %c0_i32 : i32, i32
  }
}

module attributes {stable_mosaic.version = 14 : i64} {
  func.func @_vox_kernel(%arg0: i32, %arg1: memref<1x4096xi32, #tpu.memory_space<vmem>>, %arg2: memref<4096x128xf32, #tpu.memory_space<vmem>>, %arg3: memref<512x128xf32, #tpu.memory_space<vmem>>) attributes {dimension_semantics = [#tpu.dimension_semantics<arbitrary>], iteration_bounds = array<i64: 8>, scalar_prefetch = 0 : i64, scratch_operands = 0 : i64, tpu.core_type = #tpu.core_type<tc>, window_params = [{pipeline_mode = #tpu.pipeline_mode<synchronous>, transform_indices = @transform_0, window_bounds = array<i64: 1, 4096>}, {pipeline_mode = #tpu.pipeline_mode<synchronous>, transform_indices = @transform_1, window_bounds = array<i64: 4096, 128>}, {transform_indices = @transform_2, window_bounds = array<i64: 512, 128>}]} {
    %mul3A = arith.constant 512 : i32
    %mul3A_0 = arith.muli %arg0, %mul3A : i32
    %iota3A = tpu.iota {dimensions = array<i32: 0>} : vector<512x4096xi32>
    %add3A = vector.broadcast %mul3A_0 : i32 to vector<512x4096xi32>
    %add3A_1 = arith.addi %add3A, %iota3A : vector<512x4096xi32>
    %get3A = arith.constant 0 : index
    %get3A_2 = arith.constant 0 : index
    %get3A_3 = vector.load %arg1[%get3A, %get3A_2] : memref<1x4096xi32, #tpu.memory_space<vmem>>, vector<1x4096xi32>
    %get3A_4 = vector.shape_cast %get3A_3 : vector<1x4096xi32> to vector<4096xi32>
    %broadcast_in_dim3A = vector.shape_cast %get3A_4 : vector<4096xi32> to vector<1x4096xi32>
    %eq3A = vector.broadcast %broadcast_in_dim3A : vector<1x4096xi32> to vector<512x4096xi32>
    %eq3A_5 = arith.cmpi eq, %add3A_1, %eq3A : vector<512x4096xi32>
    %convert_element_type3A = arith.extui %eq3A_5 : vector<512x4096xi1> to vector<512x4096xi32>
    %convert_element_type3A_6 = arith.sitofp %convert_element_type3A : vector<512x4096xi32> to vector<512x4096xf32>
    %get3A_7 = arith.constant 0 : index
    %get3A_8 = arith.constant 0 : index
    %get3A_9 = vector.load %arg2[%get3A_7, %get3A_8] : memref<4096x128xf32, #tpu.memory_space<vmem>>, vector<4096x128xf32>
    %dot_general3A = arith.constant dense<0.000000e+00> : vector<512x128xf32>
    %dot_general3A_10 = tpu.matmul %convert_element_type3A_6, %get3A_9, %dot_general3A {dimension_numbers = #tpu.dot_dimension_numbers<[1], [0], [0], [1], [0, 0, 1, 1], [], []>, transpose_lhs_hint = false} : vector<512x4096xf32>, vector<4096x128xf32>, vector<512x128xf32> -> vector<512x128xf32>
    %reduce_sum3A = arith.constant dense<0.000000e+00> : vector<512xf32>
    %reduce_sum3A_11 = vector.multi_reduction <add>, %convert_element_type3A_6, %reduce_sum3A [1] : vector<512x4096xf32> to vector<512xf32>
    %broadcast_in_dim3A_12 = vector.shape_cast %reduce_sum3A_11 : vector<512xf32> to vector<512x1xf32>
    %max3A = arith.constant 1.000000e+00 : f32
    %max3A_13 = vector.broadcast %max3A : f32 to vector<512x1xf32>
    %max3A_14 = arith.maximumf %broadcast_in_dim3A_12, %max3A_13 : vector<512x1xf32>
    %div3A = vector.broadcast %max3A_14 : vector<512x1xf32> to vector<512x128xf32>
    %div3A_15 = arith.divf %dot_general3A_10, %div3A : vector<512x128xf32>
    %swap3A = arith.constant 0 : index
    %swap3A_16 = arith.constant 0 : index
    %swap3A_17 = vector.load %arg3[%swap3A, %swap3A_16] : memref<512x128xf32, #tpu.memory_space<vmem>>, vector<512x128xf32>
    tpu.vector_store %arg3[%swap3A, %swap3A_16], %div3A_15 {strides = array<i32>} : memref<512x128xf32, #tpu.memory_space<vmem>>, vector<512x128xf32>,
    return
  }
  func.func @transform_0(%arg0: i32) -> (i32, i32) {
    %c0_i32 = arith.constant 0 : i32
    %c0_i32_0 = arith.constant 0 : i32
    %c0_i32_1 = arith.constant 0 : i32
    return %c0_i32, %c0_i32_0 : i32, i32
  }
  func.func @transform_1(%arg0: i32) -> (i32, i32) {
    %c0_i32 = arith.constant 0 : i32
    %c0_i32_0 = arith.constant 0 : i32
    %c0_i32_1 = arith.constant 0 : i32
    return %c0_i32, %c0_i32_0 : i32, i32
  }
  func.func @transform_2(%arg0: i32) -> (i32, i32) {
    %c0_i32 = arith.constant 0 : i32
    %c0_i32_0 = arith.constant 0 : i32
    return %arg0, %c0_i32 : i32, i32
  }
}

</mosaic_0001>

<sc_bundles>
// kernel: kernel.11.cloned.1.call-start
scs
__scs_entry_jumppad:
0x0: {  	(pc) =	sbr.rel $0x88, $3  }
0x1: {  	(tag) =	ssettag $0x0;
	lr =	simm.s32 $0x1  }
0x2: {  	[smem:$0x3F88] =	sst lr;
	_ =	strace $0xD0000000  }
0x3: {  	_ = 	snop  }
0x4: {  	_ = 	snop  }
0x5: {  	_ = 	snop  }
0x6: {  	_ = 	snop  }
0x7: {  	_ = 	snop  }
__scs_overlays_trampoline_lowered:
0x8: {  	[smem:$0x3F97] =	sst s0  }
0x9: {  	[smem:$0x3F98] =	sst s1  }
0xa: {  	[smem:$0x3F99] =	sst s2  }
0xb: {  	[smem:$0x3F9A] =	sst s3  }
0xc: {  	[smem:$0x3F9B] =	sst s4  }
0xd: {  	[smem:$0x3F9C] =	sst s5  }
0xe: {  	[smem:$0x3F9D] =	sst s6  }
0xf: {  	[smem:$0x3F9E] =	sst s7  }
0x10: {  	[smem:$0x3F9F] =	sst s8  }
0x11: {  	[smem:$0x3FA0] =	sst s9;
	s0 =	simm.s32 @!p0 $0x0  }
0x12: {  	s1 =	sld [smem:$0x3F86];
	s0 =	simm.s32 @p0 $0x1  }
0x13: {  	[smem:$0x3FA1] =	sst s0;
	s0 =	simm.s32 @!p1 $0x0  }
0x14: {  	s2 =	sld [smem:$0x3F85];
	s0 =	simm.s32 @p1 $0x1  }
0x15: {  	[smem:$0x3FA2] =	sst s0;
	s0 =	simm.s32 @!p2 $0x0  }
0x16: {  	s3 =	sld [smem:$0x3FDB];
	s0 =	simm.s32 @p2 $0x1  }
0x17: {  	s4 =	simm.s32 $0x1BF5;
	[smem:$0x3FA4] =	sst s0  }
0x18: {  	s0 =	sld [smem:$0x3F87];
	_ =	swait.ge [sflag:s4], $0x0  }
0x19: {  	s7 =	sld [smem:$0x3F88]  }
0x1a: {  	s8 =	sadd.s32 $0xFFFFE003, lr  }
0x1b: {  	s9 =	sadd.s32 $0xFFFFFEF7, lr;
	s5 =	simm.s32 $0xFFFFFFFF;
	p2 =	slt.u32 s8, $0xFFFFF086  }
0x1c: {  	p1 =	slt.u32 s9, $0xF7A;
	s5 =	simm.s32 @!p2 $0x0  }
0x1d: {  	s5 =	simm.s32 @p1 $0x1;
	p0 =	seq.s32 s7, s2  }
0x1e: {  	s7 =	smul.u32 @!p0 $0xF7A, s2;
	p2 =	seq.s32 @!p0 s5, $0x0  }
0x1f: {  	s9 =	smul.u32 $0xF7A, s1;
	s8 =	simm.s32 @!p0 $0x1BF5;
	p2 =	por !p2, p0  }
0x20: {  	[sflag:s8] =	ssyncset.s32 @!p0 $0xFFFFF086;
	s6 =	sadd.s32 @!p0 s3, s7;
	s7 =	simm.s32 @!p0 $0x108  }
0x21: {  	s3 =	sadd.s32 s3, s9;
	s6 =	sadd.s32 @!p0 $0x88, s6;
	s7 =	simm.s32 @p2 $0x1082  }
0x22: {  	[simem:s7], [sflag:s8] =	dma.local @!p0 [hbm:s6], $0xF7A  }
0x23: {  	s9 =	sor.u32 $0xD0000000, s2;
	s6 =	simm.s32 $0x108;
	_ =	swait.ge @!p0 [sflag:s8], $0x0  }
0x24: {  	s3 =	sadd.s32 $0x88, s3;
	s6 =	simm.s32 @!p1 $0x1082;
	[sflag:s4] =	ssyncset.s32 $0xFFFFF086  }
0x25: {  	[simem:s6], [sflag:s4] =	dma.local [hbm:s3], $0xF7A  }
0x26: {  	[smem:$0x3F88] =	sst s1;
	(tag) =	ssettag s2;
	_ =	strace s9  }
0x27: {  	s1 =	sld [smem:$0x3F98]  }
0x28: {  	s2 =	sld [smem:$0x3F99]  }
0x29: {  	s4 =	sld [smem:$0x3F9B]  }
0x2a: {  	p0 =	seq.s32 s5, $0x0;
	s5 =	sld [smem:$0x3F9C]  }
0x2b: {  	s6 =	sld [smem:$0x3F9D]  }
0x2c: {  	s7 =	sld [smem:$0x3F9E]  }
0x2d: {  	s3 =	simm.s32 $0x108;
	s8 =	sld [smem:$0x3F9F]  }
0x2e: {  	s3 =	simm.s32 @!p0 $0x1082;
	s9 =	sld [smem:$0x3FA0]  }
0x2f: {  	lr =	sadd.s32 s0, s3;
	s0 =	sld [smem:$0x3F97]  }
0x30: {  	s3 =	sld [smem:$0x3F9A]  }
0x31: {  	[smem:$0x3FA3] =	sst s10  }
0x32: {  	s10 =	sld [smem:$0x3FA1];
	_ =	sdelay $0x3  }
0x33: {  	p0 =	seq.s32 s10, $0x1;
	s10 =	sld [smem:$0x3FA3];
	_ =	sdelay $0x3  }
0x34: {  	[smem:$0x3FA3] =	sst s10  }
0x35: {  	s10 =	sld [smem:$0x3FA2];
	_ =	sdelay $0x3  }
0x36: {  	p1 =	seq.s32 s10, $0x1;
	s10 =	sld [smem:$0x3FA3];
	_ =	sdelay $0x3  }
0x37: {  	[smem:$0x3FA3] =	sst s10  }
0x38: {  	s10 =	sld [smem:$0x3FA4]  }
0x39: {  	_ = 	snop;
	(pc) =	sbr.ind lr, $3  }
0x3a: {  	_ = 	snop  }
0x3b: {  	_ = 	snop  }
0x3c: {  	p2 =	seq.s32 s10, $0x1;
	s10 =	sld [smem:$0x3FA3]  }
0x3d: {  	_ =	shalt  }
0x3e: {  	_ =	shalt  }
0x3f: {  	_ =	shalt  }
0x40: {  	_ =	shalt  }
0x41: {  	_ =	shalt  }
0x42: {  	_ =	shalt  }
0x43: {  	_ =	shalt  }
0x44: {  	_ =	shalt  }
0x45: {  	_ =	shalt  }
0x46: {  	_ =	shalt  }
0x47: {  	_ =	shalt  }
0x48: {  	_ =	shalt  }
0x49: {  	_ =	shalt  }
0x4a: {  	_ =	shalt  }
0x4b: {  	_ =	shalt  }
0x4c: {  	_ =	shalt  }
0x4d: {  	_ =	shalt  }
0x4e: {  	_ =	shalt  }
0x4f: {  	_ =	shalt  }
0x50: {  	_ =	shalt  }
0x51: {  	_ =	shalt  }
0x52: {  	_ =	shalt  }
0x53: {  	_ =	shalt  }
0x54: {  	_ =	shalt  }
0x55: {  	_ =	shalt  }
0x56: {  	_ =	shalt  }
0x57: {  	_ =	shalt  }
0x58: {  	_ =	shalt  }
0x59: {  	_ =	shalt  }
0x5a: {  	_ =	shalt  }
0x5b: {  	_ =	shalt  }
0x5c: {  	_ =	shalt  }
0x5d: {  	_ =	shalt  }
0x5e: {  	_ =	shalt  }
0x5f: {  	_ =	shalt  }
0x60: {  	_ =	shalt  }
0x61: {  	_ =	shalt  }
0x62: {  	_ =	shalt  }
0x63: {  	_ =	shalt  }
0x64: {  	_ =	shalt  }
0x65: {  	_ =	shalt  }
0x66: {  	_ =	shalt  }
0x67: {  	_ =	shalt  }
0x68: {  	_ =	shalt  }
0x69: {  	_ =	shalt  }
0x6a: {  	_ =	shalt  }
0x6b: {  	_ =	shalt  }
0x6c: {  	_ =	shalt  }
0x6d: {  	_ =	shalt  }
0x6e: {  	_ =	shalt  }
0x6f: {  	_ =	shalt  }
0x70: {  	_ =	shalt  }
0x71: {  	_ =	shalt  }
0x72: {  	_ =	shalt  }
0x73: {  	_ =	shalt  }
0x74: {  	_ =	shalt  }
0x75: {  	_ =	shalt  }
0x76: {  	_ =	shalt  }
0x77: {  	_ =	shalt  }
0x78: {  	_ =	shalt  }
0x79: {  	_ =	shalt  }
0x7a: {  	_ =	shalt  }
0x7b: {  	_ =	shalt  }
0x7c: {  	_ =	shalt  }
0x7d: {  	_ =	shalt  }
0x7e: {  	_ =	shalt  }
0x7f: {  	_ =	shalt  }
0x80: {  	_ =	shalt  }
0x81: {  	_ =	shalt  }
0x82: {  	_ =	shalt  }
0x83: {  	_ =	shalt  }
0x84: {  	_ =	shalt  }
0x85: {  	_ =	shalt  }
0x86: {  	_ =	shalt  }
0x87: {  	_ =	shalt  }
.Lfunc_end0:
.L_simem_size_0:
called_computation_lowered:
.L_overlay_start_0:
0x88: {  	s2 =	sld [smem:$0x3FD9]  }
0x89: {  	s3 =	sld [smem:$0x3FFE];
	_ =	sdelay $0x1  }
0x8a: {  	s1 =	srdreg.scid  }
0x8b: {  	s0 =	sand.u32 $0x1, s1  }
0x8c: {  	s16 =	sshll.u32 s0, $0xA;
	s2 =	sadd.s32 s3, s2  }
0x8d: {  	s2 =	sadd.s32 s2, s16  }
0x8e: {  	[smem:$0x3FAF] =	sst s2  }
0x8f: {  	_ = 	snop  }
0x90: {  	(tm) =	ssettm $0x1  }
0x91: {  	s17 =	sld [smem:$0x3FFB];
	_ =	sdelay $0x3  }
0x92: {  	_ =	strace s17  }
0x93: {  	s2 =	sld [smem:$0x3FFC];
	_ =	sdelay $0x3  }
0x94: {  	_ =	strace s2  }
0x95: {  	s2 =	sld [smem:$0x3FFD];
	_ =	sdelay $0x3  }
0x96: {  	_ =	strace s2  }
0x97: {  	_ =	strace $0x8FFFFFFF  }
0x98: {  	s18 =	sld [smem:$0x3FDB];
	_ =	sdelay $0x1  }
0x99: {  	s19 =	simm.s32 $_scs_section_size  }
0x9a: {  	s4 =	simm.s32 $_size__tile_overlayer_lowered;
	s5 =	simm.s32 $_tile_overlayer_lowered  }
0x9b: {  	s22 =	simm.s32 $0x1BFF;
	s21 =	sshll.u32 s5, $0x1;
	s2 =	sadd.s32 s19, s18  }
0x9c: {  	s6 =	simm.s32 $0x0;
	s20 =	sshll.u32 s4, $0x1;
	s4 =	sadd.s32 s21, s2  }
0x9d: {  	[timem:s6], [sflag:s22] =	dma.local [hbm:s4], s20  }
0x9e: {  	_ =	swait.ge [sflag:s22], s20  }
0x9f: {  	s3 =	ssub.s32 $0x0, s20;
	[sflag:s22] =	ssyncset.done $0x0  }
0xa0: {  	[sflag:s22] =	ssyncadd.s32 s3;
	_ =	sdelay $0x1  }
0xa1: {  	s23 =	simm.s32 $0x1B8B  }
0xa2: {  	_ =	swait.ge [sflag:s23], $0x1  }
0xa3: {  	[sflag:s23] =	ssyncset.done $0x0  }
0xa4: {  	s25 =	simm.s32 $0x1B8E;
	s24 =	sld [smem:$0x3FFE];
	[sflag:s23] =	ssyncadd.s32 $0xFFFFFFFF  }
0xa5: {  	s26 =	simm.s32 $execute0_lowered;
	[smem:$0x3FD2] =	sst s25  }
0xa6: {  	s4 =	sshll.u32 s26, $0x1;
	_ =	strace $0x80000046;
	[dreg:$0x1] =	wrdreg $0xFFFFFFFF  }
0xa7: {  	s28 =	simm.s32 $_size_execute0_lowered;
	s2 =	sadd.s32 s2, s4;
	[dreg:$0x0] =	wrdreg $0x0  }
0xa8: {  	s4 =	sshll.u32 s28, $0x1;
	[dreg:$0x2] =	wrdreg s2  }
0xa9: {  	[dreg:$0x3] =	wrdreg s4  }
0xaa: {  	[dreg:$0x4] =	wrdreg $0xC0  }
0xab: {  	_ =	task [dreg:s6], $0x5FFFF  }
0xac: {  	[dreg:$0x1] =	wrdreg $0xFFFFFFFF  }
0xad: {  	[dreg:$0x0] =	wrdreg $0x60  }
0xae: {  	[dreg:$0x2] =	wrdreg s24  }
0xaf: {  	[dreg:$0x3] =	wrdreg $0x9  }
0xb0: {  	_ =	task.clear_ibuf [dreg:s6], $0x4FFFF;
	_ =	strace $0x90000046  }
0xb1: {  	s29 =	simm.s32 $0x9;
	_ =	strace $0x80000048  }
0xb2: {  	_ =	swait.ge [sflag:s29], $0x1  }
0xb3: {  	[sflag:s29] =	ssyncadd.s32 $0xFFFFFFFF  }
0xb4: {  	_ =	strace $0x90000048  }
0xb5: {  	_ =	sfence  }
0xb6: {  	s30 =	sld [smem:$0x0];
	_ =	sdelay $0x2  }
0xb7: {  	s31 =	sshll.u32 s1, $0xD;
	s1 =	sshrl.u32 s1, $0x2  }
0xb8: {  	s3 =	sand.u32 $0x4000, s31;
	s1 =	sadd.s32 s1, s30  }
0xb9: {  	s0 =	sor.u32 s3, s0;
	s1 =	sshll.u32 s1, $0x11  }
0xba: {  	s0 =	sor.u32 s1, s0  }
0xbb: {  	s0 =	sadd.s32 $0x8F2B, s0  }
0xbc: {  	[sflag:s0] =	ssyncadd.remote.s32 $0x1  }
0xbd: {  	_ =	sfence.sel $0xFFFF  }
0xbe: {  	[dreg:$0x0] =	wrdreg $0xFFFFFFFF;
	(pc) =	sbr.abs _section_cstart, $3  }
0xbf: {  	[dreg:$0x1] =	wrdreg $0xFFFFFFFF  }
0xc0: {  	_ =	task.clear_ibuf [dreg:s6], $0x2FFFF;
	_ =	strace $0x9FFFFFFF  }
0xc1: {  	(tm) =	ssettm $0x7FFFFFFF  }
tec
execute0_lowered:
.L_overlay_start_1:
0x0: {  	(tag) =	ssettag $0x1  }
0x1: {  	s4 =	rddreg [dreg:$0x0]  }
0x2: {  	s0 =	rddreg [dreg:$0x1];
	s2 =	simm.s32 $0x0;
	s3 =	srdreg.scid  }
0x3: {  	s1 =	stileid.u32;
	s10 =	simm.s32 $0x1080;
	s11 =	simm.s32 $0x1880  }
0x4: {  	s12 =	simm.s32 $0x2080;
	s13 =	simm.s32 $0x2880;
	s14 =	simm.s32 $0x3080  }
0x5: {  	s15 =	simm.s32 $0x3880;
	s16 =	simm.s32 $0x4080;
	s17 =	simm.s32 $0x4880  }
0x6: {  	s18 =	simm.s32 $0x5080;
	s19 =	simm.s32 $0x5880;
	s20 =	simm.s32 $0x6080  }
0x7: {  	s21 =	simm.s32 $0x6880;
	s22 =	simm.s32 $0x7080;
	s23 =	simm.s32 $0x7880  }
0x8: {  	s24 =	simm.s32 $0x1;
	s25 =	simm.s32 $0x0;
	[smem:$0x7FF] =	sst s2  }
0x9: {  	s5 =	sand.u32 $0x1, s3;
	s6 =	sshll.u32 s1, $0xC;
	s3 =	sadd.s32 $0x4200, s4  }
0xa: {  	s8 =	sshll.u32 s1, $0x11;
	_ =	strace $0x80000047;
	s7 =	sshll.u32 s5, $0xB  }
0xb: {  	s31 =	ssub.s32 $0x2, s5;
	s8 =	sadd.s32 s8, s4;
	s5 =	sshll.u32 s5, $0x10  }
0xc: {  	s6 =	sor.u32 s7, s6;
	s9 =	sshrl.u32 s31, $0x1;
	s5 =	sadd.s32 s5, s8  }
0xd: {  	v2 =	vlaneseq.u32;
	s8 =	simm.s32 $0x80;
	s6 =	sshrl.u32 s6, $0x3;
	s7 =	ssub.s32 s31, s9  }
0xe: {  	vm0 =	vmmov $0xffff;
	v1 =	vshrl.u32 v2, $0x3;
	s5 =	sadd.s32 $0x46200, s5;
	s9 =	simm.s32 $0x880;
	s6 =	sadd.s32 s6, s4  }
0xf: {  	v0 =	vand.u32 $0x7, v2;
	v2 =	vor.u32 $0x8, v2;
	v1 =	vmul.u32 $0x8, v1;
	s4 =	smax.u32 s7, $0x1;
	s7 =	simm.s32 $0x2;
	s6 =	sadd.s32 $0x44200, s6  }
.LBB2_1:
0x10: {  	s26 =	smov.u32 s5;
	s28 =	simm.s32 $0x0  }
.LBB2_2:
0x11: {  	s29 =	sadd.s32 s28, s6  }
0x12: {  	[tilespmem:s2], [sflag:$0x2] =	stream.linear.gather [hbm4b:s29+s2], $0x80, $0x38;
	[tilespmem:$0x8080] =	vst v63  }
0x13: {  	_ =	swait.ge [sflag:s7], $0x80  }
0x14: {  	[sflag:s7] =	ssyncset.done $0x0  }
0x15: {  	[sflag:s7] =	ssyncadd.s32 $0xFFFFFF80  }
0x16: {  	v3 =	vld [tilespmem:$0x0];
	_ =	sdelay $0x4  }
0x17: {  	v4 =	vshll.u32 v3, $0x1  }
0x18: {  	v3 =	vand.u32 $0x7, v3;
	v4 =	vand.u32 $0xFFFFFFF0, v4  }
0x19: {  	v3 =	vor.u32 v3, v4  }
0x1a: {  	v4 =	vperm.xlane v3, v0;
	_ =	sdelay $0x1  }
0x1b: {  	v3 =	vperm.xlane v3, v2;
	v4 =	vadd.s32 v1, v4;
	_ =	sdelay $0x1  }
0x1c: {  	v3 =	vadd.s32 v1, v3;
	_ =	sdelay $0x2  }
0x1d: {  	[tilespmem:s8], [sflag:$0x1] =	stream.indirect_vreg.gather [hbm4b:s3+s2], $0x80, v4, vm0, $0xb8;
	[tilespmem:$0x8080] =	vst v63  }
0x1e: {  	_ = 	snop  }
0x1f: {  	[tilespmem:s9], [sflag:$0x1] =	stream.indirect_vreg.gather [hbm4b:s3+s2], $0x80, v3, vm0, $0xb8;
	[tilespmem:$0x8080] =	vst v63  }
0x20: {  	v3 =	vld [tilespmem:$0x10];
	_ =	sdelay $0x4  }
0x21: {  	v57 =	vshll.u32 v3, $0x1  }
0x22: {  	v3 =	vand.u32 $0x7, v3;
	v4 =	vand.u32 $0xFFFFFFF0, v57  }
0x23: {  	v3 =	vor.u32 v3, v4  }
0x24: {  	v4 =	vperm.xlane v3, v0;
	_ =	sdelay $0x1  }
0x25: {  	v3 =	vperm.xlane v3, v2;
	v4 =	vadd.s32 v1, v4;
	_ =	sdelay $0x1  }
0x26: {  	v3 =	vadd.s32 v1, v3;
	_ =	sdelay $0x2  }
0x27: {  	[tilespmem:s10], [sflag:$0x1] =	stream.indirect_vreg.gather [hbm4b:s3+s2], $0x80, v4, vm0, $0xb8;
	[tilespmem:$0x8080] =	vst v63  }
0x28: {  	_ = 	snop  }
0x29: {  	[tilespmem:s11], [sflag:$0x1] =	stream.indirect_vreg.gather [hbm4b:s3+s2], $0x80, v3, vm0, $0xb8;
	[tilespmem:$0x8080] =	vst v63  }
0x2a: {  	v3 =	vld [tilespmem:$0x20];
	_ =	sdelay $0x4  }
0x2b: {  	v58 =	vshll.u32 v3, $0x1  }
0x2c: {  	v3 =	vand.u32 $0x7, v3;
	v4 =	vand.u32 $0xFFFFFFF0, v58  }
0x2d: {  	v3 =	vor.u32 v3, v4  }
0x2e: {  	v4 =	vperm.xlane v3, v0;
	_ =	sdelay $0x1  }
0x2f: {  	v3 =	vperm.xlane v3, v2;
	v4 =	vadd.s32 v1, v4;
	_ =	sdelay $0x1  }
0x30: {  	v3 =	vadd.s32 v1, v3;
	_ =	sdelay $0x2  }
0x31: {  	[tilespmem:s12], [sflag:$0x1] =	stream.indirect_vreg.gather [hbm4b:s3+s2], $0x80, v4, vm0, $0xb8;
	[tilespmem:$0x8080] =	vst v63  }
0x32: {  	_ = 	snop  }
0x33: {  	[tilespmem:s13], [sflag:$0x1] =	stream.indirect_vreg.gather [hbm4b:s3+s2], $0x80, v3, vm0, $0xb8;
	[tilespmem:$0x8080] =	vst v63  }
0x34: {  	v3 =	vld [tilespmem:$0x30];
	_ =	sdelay $0x4  }
0x35: {  	v59 =	vshll.u32 v3, $0x1  }
0x36: {  	v3 =	vand.u32 $0x7, v3;
	v4 =	vand.u32 $0xFFFFFFF0, v59  }
0x37: {  	v3 =	vor.u32 v3, v4  }
0x38: {  	v4 =	vperm.xlane v3, v0;
	_ =	sdelay $0x1  }
0x39: {  	v3 =	vperm.xlane v3, v2;
	v4 =	vadd.s32 v1, v4;
	_ =	sdelay $0x1  }
0x3a: {  	v3 =	vadd.s32 v1, v3;
	_ =	sdelay $0x2  }
0x3b: {  	[tilespmem:s14], [sflag:$0x1] =	stream.indirect_vreg.gather [hbm4b:s3+s2], $0x80, v4, vm0, $0xb8;
	[tilespmem:$0x8080] =	vst v63  }
0x3c: {  	_ = 	snop  }
0x3d: {  	[tilespmem:s15], [sflag:$0x1] =	stream.indirect_vreg.gather [hbm4b:s3+s2], $0x80, v3, vm0, $0xb8;
	[tilespmem:$0x8080] =	vst v63  }
0x3e: {  	v3 =	vld [tilespmem:$0x40];
	_ =	sdelay $0x4  }
0x3f: {  	v60 =	vshll.u32 v3, $0x1  }
0x40: {  	v3 =	vand.u32 $0x7, v3;
	v4 =	vand.u32 $0xFFFFFFF0, v60  }
0x41: {  	v3 =	vor.u32 v3, v4  }
0x42: {  	v4 =	vperm.xlane v3, v0;
	_ =	sdelay $0x1  }
0x43: {  	v3 =	vperm.xlane v3, v2;
	v4 =	vadd.s32 v1, v4;
	_ =	sdelay $0x1  }
0x44: {  	v3 =	vadd.s32 v1, v3;
	_ =	sdelay $0x2  }
0x45: {  	[tilespmem:s16], [sflag:$0x1] =	stream.indirect_vreg.gather [hbm4b:s3+s2], $0x80, v4, vm0, $0xb8;
	[tilespmem:$0x8080] =	vst v63  }
0x46: {  	_ = 	snop  }
0x47: {  	[tilespmem:s17], [sflag:$0x1] =	stream.indirect_vreg.gather [hbm4b:s3+s2], $0x80, v3, vm0, $0xb8;
	[tilespmem:$0x8080] =	vst v63  }
0x48: {  	v3 =	vld [tilespmem:$0x50];
	_ =	sdelay $0x4  }
0x49: {  	v61 =	vshll.u32 v3, $0x1  }
0x4a: {  	v3 =	vand.u32 $0x7, v3;
	v4 =	vand.u32 $0xFFFFFFF0, v61  }
0x4b: {  	v3 =	vor.u32 v3, v4  }
0x4c: {  	v4 =	vperm.xlane v3, v0;
	_ =	sdelay $0x1  }
0x4d: {  	v3 =	vperm.xlane v3, v2;
	v4 =	vadd.s32 v1, v4;
	_ =	sdelay $0x1  }
0x4e: {  	v3 =	vadd.s32 v1, v3;
	_ =	sdelay $0x2  }
0x4f: {  	[tilespmem:s18], [sflag:$0x1] =	stream.indirect_vreg.gather [hbm4b:s3+s2], $0x80, v4, vm0, $0xb8;
	[tilespmem:$0x8080] =	vst v63  }
0x50: {  	_ = 	snop  }
0x51: {  	[tilespmem:s19], [sflag:$0x1] =	stream.indirect_vreg.gather [hbm4b:s3+s2], $0x80, v3, vm0, $0xb8;
	[tilespmem:$0x8080] =	vst v63  }
0x52: {  	v3 =	vld [tilespmem:$0x60];
	_ =	sdelay $0x4  }
0x53: {  	v62 =	vshll.u32 v3, $0x1  }
0x54: {  	v3 =	vand.u32 $0x7, v3;
	v4 =	vand.u32 $0xFFFFFFF0, v62  }
0x55: {  	v3 =	vor.u32 v3, v4  }
0x56: {  	v4 =	vperm.xlane v3, v0;
	_ =	sdelay $0x1  }
0x57: {  	v3 =	vperm.xlane v3, v2;
	v4 =	vadd.s32 v1, v4;
	_ =	sdelay $0x1  }
0x58: {  	v3 =	vadd.s32 v1, v3;
	_ =	sdelay $0x2  }
0x59: {  	[tilespmem:s20], [sflag:$0x1] =	stream.indirect_vreg.gather [hbm4b:s3+s2], $0x80, v4, vm0, $0xb8;
	[tilespmem:$0x8080] =	vst v63  }
0x5a: {  	_ = 	snop  }
0x5b: {  	[tilespmem:s21], [sflag:$0x1] =	stream.indirect_vreg.gather [hbm4b:s3+s2], $0x80, v3, vm0, $0xb8;
	[tilespmem:$0x8080] =	vst v63  }
0x5c: {  	v3 =	vld [tilespmem:$0x70];
	_ =	sdelay $0x4  }
0x5d: {  	v63 =	vshll.u32 v3, $0x1  }
0x5e: {  	v3 =	vand.u32 $0x7, v3;
	v4 =	vand.u32 $0xFFFFFFF0, v63  }
0x5f: {  	v3 =	vor.u32 v3, v4  }
0x60: {  	v4 =	vperm.xlane v3, v0;
	_ =	sdelay $0x1  }
0x61: {  	v3 =	vperm.xlane v3, v2;
	v4 =	vadd.s32 v1, v4;
	_ =	sdelay $0x1  }
0x62: {  	v3 =	vadd.s32 v1, v3;
	_ =	sdelay $0x2  }
0x63: {  	[tilespmem:s22], [sflag:$0x1] =	stream.indirect_vreg.gather [hbm4b:s3+s2], $0x80, v4, vm0, $0xb8;
	[tilespmem:$0x8080] =	vst v63  }
0x64: {  	_ = 	snop  }
0x65: {  	[tilespmem:s23], [sflag:$0x1] =	stream.indirect_vreg.gather [hbm4b:s3+s2], $0x80, v3, vm0, $0xb8;
	[tilespmem:$0x8080] =	vst v63  }
0x66: {  	_ =	swait.ge [sflag:s24], $0x8000  }
0x67: {  	p0 =	sne.s32 s28, $0xF0;
	[sflag:s24] =	ssyncset.done $0x0  }
.Ltmp0:
0x68: {  	[sflag:s24] =	ssyncadd.s32 $0xFFFF8000;
	(pc) =	sbr.rel @p0 .LBB2_2-.Ltmp0, $4  }
0x69: {  	[hbm4b:s26+s2] =	stream.linear.scatter [tilespmem:s8], [sflag:$0x2], $0x8000, $0x38;
	[tilespmem:$0x8080] =	vst v63  }
0x6a: {  	_ =	swait.ge [sflag:s7], $0x8000  }
0x6b: {  	[sflag:s7] =	ssyncset.done $0x0  }
0x6c: {  	s28 =	sadd.s32 $0x10, s28;
	s26 =	sadd.s32 $0x1000, s26;
	[sflag:s7] =	ssyncadd.s32 $0xFFFF8000  }
0x6d: {  	s25 =	sadd.s32 $0x1, s25  }
0x6e: {  	p0 =	sne.s32 s25, s4  }
.Ltmp1:
0x6f: {  	_ = 	snop;
	(pc) =	sbr.rel @p0 .LBB2_1-.Ltmp1, $1  }
0x70: {  	_ =	sdelay $0x3  }
0x71: {  	_ =	sfence.sel $0x180000  }
0x72: {  	[bflag:$0x0] =	sbarrier.arrive $0xFFFF  }
0x73: {  	p0 =	sne.s32 s1, $0x0;
	_ =	strace $0x90000047  }
0x74: {  	s0 =	sadd.s32 @!p0 $0x100000, s0;
	[bflag:$0x2] =	sbarrier.arrive $0xFFFF  }
0x75: {  	[sflag:s0] =	ssyncadd.tile.s32 @!p0 $0x1;
	_ =	shalt  }
.Lfunc_end2:
_tile_overlayer_lowered:
.L_overlay_start_2:
0x76: {  	(tag) =	ssettag $0x2  }
0x77: {  	s0 =	rddreg [dreg:$0x0];
	s2 =	stileid.u32  }
0x78: {  	s1 =	rddreg [dreg:$0x1];
	p0 =	sne.s32 s2, $0x0  }
0x79: {  	s3 =	rddreg [dreg:$0x2];
	[bflag:$0x3] =	sbarrier.arrive $0xFFFF;
	s2 =	simm.s32 @!p0 $0x1C02  }
0x7a: {  	[timem:s3], [sflag:s2] =	dma.local @!p0 [hbm:s0], s1  }
0x7b: {  	s0 =	simm.s32 @!p0 $0x2  }
0x7c: {  	_ =	swait.ge @!p0 [sflag:s0], s1  }
0x7d: {  	s1 =	ssub.s32 @!p0 $0x0, s1;
	[sflag:s0] =	ssyncset.done @!p0 $0x0  }
0x7e: {  	[sflag:s0] =	ssyncadd.s32 @!p0 s1  }
0x7f: {  	[bflag:$0x3] =	sbarrier.arrive $0xFFFF  }
0x80: {  	_ =	shalt  }

// kernel: kernel.16.cloned.1.call-start
scs
__scs_entry_jumppad:
0x0: {  	(pc) =	sbr.rel $0x88, $3  }
0x1: {  	(tag) =	ssettag $0x0;
	lr =	simm.s32 $0x1  }
0x2: {  	[smem:$0x3F88] =	sst lr;
	_ =	strace $0xD0000000  }
0x3: {  	_ = 	snop  }
0x4: {  	_ = 	snop  }
0x5: {  	_ = 	snop  }
0x6: {  	_ = 	snop  }
0x7: {  	_ = 	snop  }
__scs_overlays_trampoline_lowered:
0x8: {  	[smem:$0x3F97] =	sst s0  }
0x9: {  	[smem:$0x3F98] =	sst s1  }
0xa: {  	[smem:$0x3F99] =	sst s2  }
0xb: {  	[smem:$0x3F9A] =	sst s3  }
0xc: {  	[smem:$0x3F9B] =	sst s4  }
0xd: {  	[smem:$0x3F9C] =	sst s5  }
0xe: {  	[smem:$0x3F9D] =	sst s6  }
0xf: {  	[smem:$0x3F9E] =	sst s7  }
0x10: {  	[smem:$0x3F9F] =	sst s8  }
0x11: {  	[smem:$0x3FA0] =	sst s9;
	s0 =	simm.s32 @!p0 $0x0  }
0x12: {  	s1 =	sld [smem:$0x3F86];
	s0 =	simm.s32 @p0 $0x1  }
0x13: {  	[smem:$0x3FA1] =	sst s0;
	s0 =	simm.s32 @!p1 $0x0  }
0x14: {  	s2 =	sld [smem:$0x3F85];
	s0 =	simm.s32 @p1 $0x1  }
0x15: {  	[smem:$0x3FA2] =	sst s0;
	s0 =	simm.s32 @!p2 $0x0  }
0x16: {  	s3 =	sld [smem:$0x3FDB];
	s0 =	simm.s32 @p2 $0x1  }
0x17: {  	s4 =	simm.s32 $0x1BF5;
	[smem:$0x3FA4] =	sst s0  }
0x18: {  	s0 =	sld [smem:$0x3F87];
	_ =	swait.ge [sflag:s4], $0x0  }
0x19: {  	s7 =	sld [smem:$0x3F88]  }
0x1a: {  	s8 =	sadd.s32 $0xFFFFE003, lr  }
0x1b: {  	s9 =	sadd.s32 $0xFFFFFEF7, lr;
	s5 =	simm.s32 $0xFFFFFFFF;
	p2 =	slt.u32 s8, $0xFFFFF086  }
0x1c: {  	p1 =	slt.u32 s9, $0xF7A;
	s5 =	simm.s32 @!p2 $0x0  }
0x1d: {  	s5 =	simm.s32 @p1 $0x1;
	p0 =	seq.s32 s7, s2  }
0x1e: {  	s7 =	smul.u32 @!p0 $0xF7A, s2;
	p2 =	seq.s32 @!p0 s5, $0x0  }
0x1f: {  	s9 =	smul.u32 $0xF7A, s1;
	s8 =	simm.s32 @!p0 $0x1BF5;
	p2 =	por !p2, p0  }
0x20: {  	[sflag:s8] =	ssyncset.s32 @!p0 $0xFFFFF086;
	s6 =	sadd.s32 @!p0 s3, s7;
	s7 =	simm.s32 @!p0 $0x108  }
0x21: {  	s3 =	sadd.s32 s3, s9;
	s6 =	sadd.s32 @!p0 $0x88, s6;
	s7 =	simm.s32 @p2 $0x1082  }
0x22: {  	[simem:s7], [sflag:s8] =	dma.local @!p0 [hbm:s6], $0xF7A  }
0x23: {  	s9 =	sor.u32 $0xD0000000, s2;
	s6 =	simm.s32 $0x108;
	_ =	swait.ge @!p0 [sflag:s8], $0x0  }
0x24: {  	s3 =	sadd.s32 $0x88, s3;
	s6 =	simm.s32 @!p1 $0x1082;
	[sflag:s4] =	ssyncset.s32 $0xFFFFF086  }
0x25: {  	[simem:s6], [sflag:s4] =	dma.local [hbm:s3], $0xF7A  }
0x26: {  	[smem:$0x3F88] =	sst s1;
	(tag) =	ssettag s2;
	_ =	strace s9  }
0x27: {  	s1 =	sld [smem:$0x3F98]  }
0x28: {  	s2 =	sld [smem:$0x3F99]  }
0x29: {  	s4 =	sld [smem:$0x3F9B]  }
0x2a: {  	p0 =	seq.s32 s5, $0x0;
	s5 =	sld [smem:$0x3F9C]  }
0x2b: {  	s6 =	sld [smem:$0x3F9D]  }
0x2c: {  	s7 =	sld [smem:$0x3F9E]  }
0x2d: {  	s3 =	simm.s32 $0x108;
	s8 =	sld [smem:$0x3F9F]  }
0x2e: {  	s3 =	simm.s32 @!p0 $0x1082;
	s9 =	sld [smem:$0x3FA0]  }
0x2f: {  	lr =	sadd.s32 s0, s3;
	s0 =	sld [smem:$0x3F97]  }
0x30: {  	s3 =	sld [smem:$0x3F9A]  }
0x31: {  	[smem:$0x3FA3] =	sst s10  }
0x32: {  	s10 =	sld [smem:$0x3FA1];
	_ =	sdelay $0x3  }
0x33: {  	p0 =	seq.s32 s10, $0x1;
	s10 =	sld [smem:$0x3FA3];
	_ =	sdelay $0x3  }
0x34: {  	[smem:$0x3FA3] =	sst s10  }
0x35: {  	s10 =	sld [smem:$0x3FA2];
	_ =	sdelay $0x3  }
0x36: {  	p1 =	seq.s32 s10, $0x1;
	s10 =	sld [smem:$0x3FA3];
	_ =	sdelay $0x3  }
0x37: {  	[smem:$0x3FA3] =	sst s10  }
0x38: {  	s10 =	sld [smem:$0x3FA4]  }
0x39: {  	_ = 	snop;
	(pc) =	sbr.ind lr, $3  }
0x3a: {  	_ = 	snop  }
0x3b: {  	_ = 	snop  }
0x3c: {  	p2 =	seq.s32 s10, $0x1;
	s10 =	sld [smem:$0x3FA3]  }
0x3d: {  	_ =	shalt  }
0x3e: {  	_ =	shalt  }
0x3f: {  	_ =	shalt  }
0x40: {  	_ =	shalt  }
0x41: {  	_ =	shalt  }
0x42: {  	_ =	shalt  }
0x43: {  	_ =	shalt  }
0x44: {  	_ =	shalt  }
0x45: {  	_ =	shalt  }
0x46: {  	_ =	shalt  }
0x47: {  	_ =	shalt  }
0x48: {  	_ =	shalt  }
0x49: {  	_ =	shalt  }
0x4a: {  	_ =	shalt  }
0x4b: {  	_ =	shalt  }
0x4c: {  	_ =	shalt  }
0x4d: {  	_ =	shalt  }
0x4e: {  	_ =	shalt  }
0x4f: {  	_ =	shalt  }
0x50: {  	_ =	shalt  }
0x51: {  	_ =	shalt  }
0x52: {  	_ =	shalt  }
0x53: {  	_ =	shalt  }
0x54: {  	_ =	shalt  }
0x55: {  	_ =	shalt  }
0x56: {  	_ =	shalt  }
0x57: {  	_ =	shalt  }
0x58: {  	_ =	shalt  }
0x59: {  	_ =	shalt  }
0x5a: {  	_ =	shalt  }
0x5b: {  	_ =	shalt  }
0x5c: {  	_ =	shalt  }
0x5d: {  	_ =	shalt  }
0x5e: {  	_ =	shalt  }
0x5f: {  	_ =	shalt  }
0x60: {  	_ =	shalt  }
0x61: {  	_ =	shalt  }
0x62: {  	_ =	shalt  }
0x63: {  	_ =	shalt  }
0x64: {  	_ =	shalt  }
0x65: {  	_ =	shalt  }
0x66: {  	_ =	shalt  }
0x67: {  	_ =	shalt  }
0x68: {  	_ =	shalt  }
0x69: {  	_ =	shalt  }
0x6a: {  	_ =	shalt  }
0x6b: {  	_ =	shalt  }
0x6c: {  	_ =	shalt  }
0x6d: {  	_ =	shalt  }
0x6e: {  	_ =	shalt  }
0x6f: {  	_ =	shalt  }
0x70: {  	_ =	shalt  }
0x71: {  	_ =	shalt  }
0x72: {  	_ =	shalt  }
0x73: {  	_ =	shalt  }
0x74: {  	_ =	shalt  }
0x75: {  	_ =	shalt  }
0x76: {  	_ =	shalt  }
0x77: {  	_ =	shalt  }
0x78: {  	_ =	shalt  }
0x79: {  	_ =	shalt  }
0x7a: {  	_ =	shalt  }
0x7b: {  	_ =	shalt  }
0x7c: {  	_ =	shalt  }
0x7d: {  	_ =	shalt  }
0x7e: {  	_ =	shalt  }
0x7f: {  	_ =	shalt  }
0x80: {  	_ =	shalt  }
0x81: {  	_ =	shalt  }
0x82: {  	_ =	shalt  }
0x83: {  	_ =	shalt  }
0x84: {  	_ =	shalt  }
0x85: {  	_ =	shalt  }
0x86: {  	_ =	shalt  }
0x87: {  	_ =	shalt  }
.Lfunc_end0:
.L_simem_size_0:
called_computation.1_lowered:
.L_overlay_start_0:
0x88: {  	s2 =	sld [smem:$0x3FD9]  }
0x89: {  	s3 =	sld [smem:$0x3FFE];
	_ =	sdelay $0x1  }
0x8a: {  	s1 =	srdreg.scid  }
0x8b: {  	s0 =	sand.u32 $0x1, s1  }
0x8c: {  	s17 =	sshll.u32 s0, $0xA;
	s2 =	sadd.s32 s3, s2  }
0x8d: {  	s2 =	sadd.s32 s2, s17  }
0x8e: {  	[smem:$0x3FAF] =	sst s2  }
0x8f: {  	_ = 	snop  }
0x90: {  	(tm) =	ssettm $0x1  }
0x91: {  	s18 =	sld [smem:$0x3FFB];
	_ =	sdelay $0x3  }
0x92: {  	_ =	strace s18  }
0x93: {  	s2 =	sld [smem:$0x3FFC];
	_ =	sdelay $0x3  }
0x94: {  	_ =	strace s2  }
0x95: {  	s2 =	sld [smem:$0x3FFD];
	_ =	sdelay $0x3  }
0x96: {  	_ =	strace s2  }
0x97: {  	_ =	strace $0x8FFFFFFF  }
0x98: {  	s19 =	sld [smem:$0x3FDB];
	_ =	sdelay $0x1  }
0x99: {  	s20 =	simm.s32 $_scs_section_size  }
0x9a: {  	s4 =	simm.s32 $_size__tile_overlayer_lowered;
	s5 =	simm.s32 $_tile_overlayer_lowered  }
0x9b: {  	s6 =	simm.s32 $0x1BFF;
	s21 =	sshll.u32 s5, $0x1;
	s3 =	sadd.s32 s20, s19  }
0x9c: {  	s22 =	simm.s32 $0x0;
	s4 =	sshll.u32 s4, $0x1;
	s5 =	sadd.s32 s21, s3  }
0x9d: {  	[timem:s22], [sflag:s6] =	dma.local [hbm:s5], s4  }
0x9e: {  	_ =	swait.ge [sflag:s6], s4  }
0x9f: {  	s4 =	ssub.s32 $0x0, s4;
	[sflag:s6] =	ssyncset.done $0x0  }
0xa0: {  	[sflag:s6] =	ssyncadd.s32 s4;
	_ =	sdelay $0x1  }
0xa1: {  	s23 =	simm.s32 $0x1B8B  }
0xa2: {  	_ =	swait.ge [sflag:s23], $0x1  }
0xa3: {  	[sflag:s23] =	ssyncset.done $0x0  }
0xa4: {  	[sflag:s23] =	ssyncadd.s32 $0xFFFFFFFF  }
0xa5: {  	s4 =	sld [smem:$0x0]  }
0xa6: {  	s5 =	sand.u32 $0xFFFFFFFE, s1  }
0xa7: {  	p0 =	sne.s32 s1, s5  }
0xa8: {  	s5 =	sshll.u32 @p0 s5, $0xE  }
0xa9: {  	s5 =	sadd.s32 @p0 $0x11B8D, s5;
	s6 =	sshll.u32 @p0 s4, $0x11  }
0xaa: {  	s5 =	sor.u32 @p0 s6, s5  }
0xab: {  	[sflag:s5] =	ssyncadd.remote.s32 @p0 $0x1;
	_ =	sdelay $0x1  }
0xac: {  	s5 =	simm.s32 @p0 $0x1B8D  }
0xad: {  	_ =	swait.eq @p0 [sflag:s5], $0x1  }
0xae: {  	[sflag:s5] =	ssyncadd.s32 @p0 $0xFFFFFFFF  }
0xaf: {  	s6 =	sshll.u32 @!p0 s1, $0xE  }
0xb0: {  	s6 =	sor.u32 @!p0 $0x4000, s6;
	s5 =	simm.s32 @!p0 $0x1B8D  }
0xb1: {  	s4 =	sshll.u32 @!p0 s4, $0x11;
	s6 =	sadd.s32 @!p0 $0x11B8D, s6;
	_ =	swait.eq @!p0 [sflag:s5], $0x1  }
0xb2: {  	s4 =	sor.u32 @!p0 s4, s6;
	[sflag:s5] =	ssyncadd.s32 @!p0 $0xFFFFFFFF  }
0xb3: {  	s25 =	simm.s32 $0x1B8E;
	s24 =	sld [smem:$0x3FFE];
	[sflag:s4] =	ssyncadd.remote.s32 @!p0 $0x1  }
0xb4: {  	s26 =	simm.s32 $execute0_lowered;
	[smem:$0x3FD2] =	sst s25  }
0xb5: {  	s5 =	sshll.u32 s26, $0x1;
	_ =	strace $0x80000049;
	[dreg:$0x1] =	wrdreg $0xFFFFFFFF  }
0xb6: {  	s28 =	simm.s32 $_size_execute0_lowered;
	s3 =	sadd.s32 s3, s5;
	[dreg:$0x0] =	wrdreg $0x0  }
0xb7: {  	s5 =	sshll.u32 s28, $0x1;
	[dreg:$0x2] =	wrdreg s3  }
0xb8: {  	[dreg:$0x3] =	wrdreg s5  }
0xb9: {  	[dreg:$0x4] =	wrdreg $0xC0  }
0xba: {  	_ =	task [dreg:s22], $0x5FFFF  }
0xbb: {  	[dreg:$0x1] =	wrdreg $0xFFFFFFFF  }
0xbc: {  	[dreg:$0x0] =	wrdreg $0x60  }
0xbd: {  	[dreg:$0x2] =	wrdreg s24  }
0xbe: {  	[dreg:$0x3] =	wrdreg $0xA  }
0xbf: {  	_ =	task.clear_ibuf [dreg:s22], $0x4FFFF;
	_ =	strace $0x90000049  }
0xc0: {  	s29 =	simm.s32 $0xA;
	_ =	strace $0x8000004B  }
0xc1: {  	_ =	swait.ge [sflag:s29], $0x1  }
0xc2: {  	[sflag:s29] =	ssyncadd.s32 $0xFFFFFFFF  }
0xc3: {  	_ =	strace $0x9000004B  }
0xc4: {  	_ =	sfence  }
0xc5: {  	s30 =	sld [smem:$0x0];
	_ =	sdelay $0x2  }
0xc6: {  	s31 =	sshll.u32 s1, $0xD;
	s1 =	sshrl.u32 s1, $0x2  }
0xc7: {  	s4 =	sand.u32 $0x4000, s31;
	s1 =	sadd.s32 s1, s30  }
0xc8: {  	s0 =	sor.u32 s4, s0;
	s1 =	sshll.u32 s1, $0x11  }
0xc9: {  	s0 =	sor.u32 s1, s0  }
0xca: {  	s0 =	sadd.s32 $0x8F2B, s0  }
0xcb: {  	[sflag:s0] =	ssyncadd.remote.s32 $0x1  }
0xcc: {  	_ =	sfence.sel $0xFFFF  }
0xcd: {  	[dreg:$0x0] =	wrdreg $0xFFFFFFFF;
	(pc) =	sbr.abs _section_cstart, $3  }
0xce: {  	[dreg:$0x1] =	wrdreg $0xFFFFFFFF  }
0xcf: {  	_ =	task.clear_ibuf [dreg:s22], $0x2FFFF;
	_ =	strace $0x9FFFFFFF  }
0xd0: {  	(tm) =	ssettm $0x7FFFFFFF  }
0xd1: {  	_ =	shalt  }
tec
execute0_lowered:
.L_overlay_start_1:
0x0: {  	(tag) =	ssettag $0x1  }
0x1: {  	s4 =	rddreg [dreg:$0x0]  }
0x2: {  	s0 =	rddreg [dreg:$0x1];
	s2 =	simm.s32 $0x0;
	s3 =	srdreg.scid  }
0x3: {  	s1 =	stileid.u32;
	s10 =	simm.s32 $0x1080;
	s11 =	simm.s32 $0x1880  }
0x4: {  	s12 =	simm.s32 $0x2080;
	s13 =	simm.s32 $0x2880;
	s14 =	simm.s32 $0x3080  }
0x5: {  	s15 =	simm.s32 $0x3880;
	s16 =	simm.s32 $0x4080;
	s17 =	simm.s32 $0x4880  }
0x6: {  	s18 =	simm.s32 $0x5080;
	s19 =	simm.s32 $0x5880;
	s20 =	simm.s32 $0x6080  }
0x7: {  	s21 =	simm.s32 $0x6880;
	s22 =	simm.s32 $0x7080;
	s23 =	simm.s32 $0x7880  }
0x8: {  	s24 =	simm.s32 $0x1;
	s25 =	simm.s32 $0x0;
	[smem:$0x7FF] =	sst s2  }
0x9: {  	s5 =	sand.u32 $0x1, s3;
	s6 =	sshll.u32 s1, $0xC;
	s3 =	sadd.s32 $0x4200, s4  }
0xa: {  	s8 =	sshll.u32 s1, $0x11;
	_ =	strace $0x8000004A;
	s7 =	sshll.u32 s5, $0xB  }
0xb: {  	s31 =	ssub.s32 $0x2, s5;
	s8 =	sadd.s32 s8, s4;
	s5 =	sshll.u32 s5, $0x10  }
0xc: {  	s6 =	sor.u32 s7, s6;
	s9 =	sshrl.u32 s31, $0x1;
	s5 =	sadd.s32 s5, s8  }
0xd: {  	v2 =	vlaneseq.u32;
	s8 =	simm.s32 $0x80;
	s6 =	sshrl.u32 s6, $0x3;
	s7 =	ssub.s32 s31, s9  }
0xe: {  	vm0 =	vmmov $0xffff;
	v1 =	vshrl.u32 v2, $0x3;
	s5 =	sadd.s32 $0x248200, s5;
	s9 =	simm.s32 $0x880;
	s6 =	sadd.s32 s6, s4  }
0xf: {  	v0 =	vand.u32 $0x7, v2;
	v2 =	vor.u32 $0x8, v2;
	v1 =	vmul.u32 $0x8, v1;
	s4 =	smax.u32 s7, $0x1;
	s7 =	simm.s32 $0x2;
	s6 =	sadd.s32 $0x246200, s6  }
.LBB2_1:
0x10: {  	s26 =	smov.u32 s5;
	s28 =	simm.s32 $0x0  }
.LBB2_2:
0x11: {  	s29 =	sadd.s32 s28, s6  }
0x12: {  	[tilespmem:s2], [sflag:$0x2] =	stream.linear.gather [hbm4b:s29+s2], $0x80, $0x38;
	[tilespmem:$0x8080] =	vst v63  }
0x13: {  	_ =	swait.ge [sflag:s7], $0x80  }
0x14: {  	[sflag:s7] =	ssyncset.done $0x0  }
0x15: {  	[sflag:s7] =	ssyncadd.s32 $0xFFFFFF80  }
0x16: {  	v3 =	vld [tilespmem:$0x0];
	_ =	sdelay $0x4  }
0x17: {  	v4 =	vshll.u32 v3, $0x1  }
0x18: {  	v3 =	vand.u32 $0x7, v3;
	v4 =	vand.u32 $0xFFFFFFF0, v4  }
0x19: {  	v3 =	vor.u32 v3, v4  }
0x1a: {  	v4 =	vperm.xlane v3, v0;
	_ =	sdelay $0x1  }
0x1b: {  	v3 =	vperm.xlane v3, v2;
	v4 =	vadd.s32 v1, v4;
	_ =	sdelay $0x1  }
0x1c: {  	v3 =	vadd.s32 v1, v3;
	_ =	sdelay $0x2  }
0x1d: {  	[tilespmem:s8], [sflag:$0x1] =	stream.indirect_vreg.gather [hbm4b:s3+s2], $0x80, v4, vm0, $0xb8;
	[tilespmem:$0x8080] =	vst v63  }
0x1e: {  	_ = 	snop  }
0x1f: {  	[tilespmem:s9], [sflag:$0x1] =	stream.indirect_vreg.gather [hbm4b:s3+s2], $0x80, v3, vm0, $0xb8;
	[tilespmem:$0x8080] =	vst v63  }
0x20: {  	v3 =	vld [tilespmem:$0x10];
	_ =	sdelay $0x4  }
0x21: {  	v57 =	vshll.u32 v3, $0x1  }
0x22: {  	v3 =	vand.u32 $0x7, v3;
	v4 =	vand.u32 $0xFFFFFFF0, v57  }
0x23: {  	v3 =	vor.u32 v3, v4  }
0x24: {  	v4 =	vperm.xlane v3, v0;
	_ =	sdelay $0x1  }
0x25: {  	v3 =	vperm.xlane v3, v2;
	v4 =	vadd.s32 v1, v4;
	_ =	sdelay $0x1  }
0x26: {  	v3 =	vadd.s32 v1, v3;
	_ =	sdelay $0x2  }
0x27: {  	[tilespmem:s10], [sflag:$0x1] =	stream.indirect_vreg.gather [hbm4b:s3+s2], $0x80, v4, vm0, $0xb8;
	[tilespmem:$0x8080] =	vst v63  }
0x28: {  	_ = 	snop  }
0x29: {  	[tilespmem:s11], [sflag:$0x1] =	stream.indirect_vreg.gather [hbm4b:s3+s2], $0x80, v3, vm0, $0xb8;
	[tilespmem:$0x8080] =	vst v63  }
0x2a: {  	v3 =	vld [tilespmem:$0x20];
	_ =	sdelay $0x4  }
0x2b: {  	v58 =	vshll.u32 v3, $0x1  }
0x2c: {  	v3 =	vand.u32 $0x7, v3;
	v4 =	vand.u32 $0xFFFFFFF0, v58  }
0x2d: {  	v3 =	vor.u32 v3, v4  }
0x2e: {  	v4 =	vperm.xlane v3, v0;
	_ =	sdelay $0x1  }
0x2f: {  	v3 =	vperm.xlane v3, v2;
	v4 =	vadd.s32 v1, v4;
	_ =	sdelay $0x1  }
0x30: {  	v3 =	vadd.s32 v1, v3;
	_ =	sdelay $0x2  }
0x31: {  	[tilespmem:s12], [sflag:$0x1] =	stream.indirect_vreg.gather [hbm4b:s3+s2], $0x80, v4, vm0, $0xb8;
	[tilespmem:$0x8080] =	vst v63  }
0x32: {  	_ = 	snop  }
0x33: {  	[tilespmem:s13], [sflag:$0x1] =	stream.indirect_vreg.gather [hbm4b:s3+s2], $0x80, v3, vm0, $0xb8;
	[tilespmem:$0x8080] =	vst v63  }
0x34: {  	v3 =	vld [tilespmem:$0x30];
	_ =	sdelay $0x4  }
0x35: {  	v59 =	vshll.u32 v3, $0x1  }
0x36: {  	v3 =	vand.u32 $0x7, v3;
	v4 =	vand.u32 $0xFFFFFFF0, v59  }
0x37: {  	v3 =	vor.u32 v3, v4  }
0x38: {  	v4 =	vperm.xlane v3, v0;
	_ =	sdelay $0x1  }
0x39: {  	v3 =	vperm.xlane v3, v2;
	v4 =	vadd.s32 v1, v4;
	_ =	sdelay $0x1  }
0x3a: {  	v3 =	vadd.s32 v1, v3;
	_ =	sdelay $0x2  }
0x3b: {  	[tilespmem:s14], [sflag:$0x1] =	stream.indirect_vreg.gather [hbm4b:s3+s2], $0x80, v4, vm0, $0xb8;
	[tilespmem:$0x8080] =	vst v63  }
0x3c: {  	_ = 	snop  }
0x3d: {  	[tilespmem:s15], [sflag:$0x1] =	stream.indirect_vreg.gather [hbm4b:s3+s2], $0x80, v3, vm0, $0xb8;
	[tilespmem:$0x8080] =	vst v63  }
0x3e: {  	v3 =	vld [tilespmem:$0x40];
	_ =	sdelay $0x4  }
0x3f: {  	v60 =	vshll.u32 v3, $0x1  }
0x40: {  	v3 =	vand.u32 $0x7, v3;
	v4 =	vand.u32 $0xFFFFFFF0, v60  }
0x41: {  	v3 =	vor.u32 v3, v4  }
0x42: {  	v4 =	vperm.xlane v3, v0;
	_ =	sdelay $0x1  }
0x43: {  	v3 =	vperm.xlane v3, v2;
	v4 =	vadd.s32 v1, v4;
	_ =	sdelay $0x1  }
0x44: {  	v3 =	vadd.s32 v1, v3;
	_ =	sdelay $0x2  }
0x45: {  	[tilespmem:s16], [sflag:$0x1] =	stream.indirect_vreg.gather [hbm4b:s3+s2], $0x80, v4, vm0, $0xb8;
	[tilespmem:$0x8080] =	vst v63  }
0x46: {  	_ = 	snop  }
0x47: {  	[tilespmem:s17], [sflag:$0x1] =	stream.indirect_vreg.gather [hbm4b:s3+s2], $0x80, v3, vm0, $0xb8;
	[tilespmem:$0x8080] =	vst v63  }
0x48: {  	v3 =	vld [tilespmem:$0x50];
	_ =	sdelay $0x4  }
0x49: {  	v61 =	vshll.u32 v3, $0x1  }
0x4a: {  	v3 =	vand.u32 $0x7, v3;
	v4 =	vand.u32 $0xFFFFFFF0, v61  }
0x4b: {  	v3 =	vor.u32 v3, v4  }
0x4c: {  	v4 =	vperm.xlane v3, v0;
	_ =	sdelay $0x1  }
0x4d: {  	v3 =	vperm.xlane v3, v2;
	v4 =	vadd.s32 v1, v4;
	_ =	sdelay $0x1  }
0x4e: {  	v3 =	vadd.s32 v1, v3;
	_ =	sdelay $0x2  }
0x4f: {  	[tilespmem:s18], [sflag:$0x1] =	stream.indirect_vreg.gather [hbm4b:s3+s2], $0x80, v4, vm0, $0xb8;
	[tilespmem:$0x8080] =	vst v63  }
0x50: {  	_ = 	snop  }
0x51: {  	[tilespmem:s19], [sflag:$0x1] =	stream.indirect_vreg.gather [hbm4b:s3+s2], $0x80, v3, vm0, $0xb8;
	[tilespmem:$0x8080] =	vst v63  }
0x52: {  	v3 =	vld [tilespmem:$0x60];
	_ =	sdelay $0x4  }
0x53: {  	v62 =	vshll.u32 v3, $0x1  }
0x54: {  	v3 =	vand.u32 $0x7, v3;
	v4 =	vand.u32 $0xFFFFFFF0, v62  }
0x55: {  	v3 =	vor.u32 v3, v4  }
0x56: {  	v4 =	vperm.xlane v3, v0;
	_ =	sdelay $0x1  }
0x57: {  	v3 =	vperm.xlane v3, v2;
	v4 =	vadd.s32 v1, v4;
	_ =	sdelay $0x1  }
0x58: {  	v3 =	vadd.s32 v1, v3;
	_ =	sdelay $0x2  }
0x59: {  	[tilespmem:s20], [sflag:$0x1] =	stream.indirect_vreg.gather [hbm4b:s3+s2], $0x80, v4, vm0, $0xb8;
	[tilespmem:$0x8080] =	vst v63  }
0x5a: {  	_ = 	snop  }
0x5b: {  	[tilespmem:s21], [sflag:$0x1] =	stream.indirect_vreg.gather [hbm4b:s3+s2], $0x80, v3, vm0, $0xb8;
	[tilespmem:$0x8080] =	vst v63  }
0x5c: {  	v3 =	vld [tilespmem:$0x70];
	_ =	sdelay $0x4  }
0x5d: {  	v63 =	vshll.u32 v3, $0x1  }
0x5e: {  	v3 =	vand.u32 $0x7, v3;
	v4 =	vand.u32 $0xFFFFFFF0, v63  }
0x5f: {  	v3 =	vor.u32 v3, v4  }
0x60: {  	v4 =	vperm.xlane v3, v0;
	_ =	sdelay $0x1  }
0x61: {  	v3 =	vperm.xlane v3, v2;
	v4 =	vadd.s32 v1, v4;
	_ =	sdelay $0x1  }
0x62: {  	v3 =	vadd.s32 v1, v3;
	_ =	sdelay $0x2  }
0x63: {  	[tilespmem:s22], [sflag:$0x1] =	stream.indirect_vreg.gather [hbm4b:s3+s2], $0x80, v4, vm0, $0xb8;
	[tilespmem:$0x8080] =	vst v63  }
0x64: {  	_ = 	snop  }
0x65: {  	[tilespmem:s23], [sflag:$0x1] =	stream.indirect_vreg.gather [hbm4b:s3+s2], $0x80, v3, vm0, $0xb8;
	[tilespmem:$0x8080] =	vst v63  }
0x66: {  	_ =	swait.ge [sflag:s24], $0x8000  }
0x67: {  	p0 =	sne.s32 s28, $0xF0;
	[sflag:s24] =	ssyncset.done $0x0  }
.Ltmp0:
0x68: {  	[sflag:s24] =	ssyncadd.s32 $0xFFFF8000;
	(pc) =	sbr.rel @p0 .LBB2_2-.Ltmp0, $4  }
0x69: {  	[hbm4b:s26+s2] =	stream.linear.scatter [tilespmem:s8], [sflag:$0x2], $0x8000, $0x38;
	[tilespmem:$0x8080] =	vst v63  }
0x6a: {  	_ =	swait.ge [sflag:s7], $0x8000  }
0x6b: {  	[sflag:s7] =	ssyncset.done $0x0  }
0x6c: {  	s28 =	sadd.s32 $0x10, s28;
	s26 =	sadd.s32 $0x1000, s26;
	[sflag:s7] =	ssyncadd.s32 $0xFFFF8000  }
0x6d: {  	s25 =	sadd.s32 $0x1, s25  }
0x6e: {  	p0 =	sne.s32 s25, s4  }
.Ltmp1:
0x6f: {  	_ = 	snop;
	(pc) =	sbr.rel @p0 .LBB2_1-.Ltmp1, $1  }
0x70: {  	_ =	sdelay $0x3  }
0x71: {  	_ =	sfence.sel $0x180000  }
0x72: {  	[bflag:$0x0] =	sbarrier.arrive $0xFFFF  }
0x73: {  	p0 =	sne.s32 s1, $0x0;
	_ =	strace $0x9000004A  }
0x74: {  	s0 =	sadd.s32 @!p0 $0x100000, s0;
	[bflag:$0x2] =	sbarrier.arrive $0xFFFF  }
0x75: {  	[sflag:s0] =	ssyncadd.tile.s32 @!p0 $0x1;
	_ =	shalt  }
.Lfunc_end2:
_tile_overlayer_lowered:
.L_overlay_start_2:
0x76: {  	(tag) =	ssettag $0x2  }
0x77: {  	s0 =	rddreg [dreg:$0x0];
	s2 =	stileid.u32  }
0x78: {  	s1 =	rddreg [dreg:$0x1];
	p0 =	sne.s32 s2, $0x0  }
0x79: {  	s3 =	rddreg [dreg:$0x2];
	[bflag:$0x3] =	sbarrier.arrive $0xFFFF;
	s2 =	simm.s32 @!p0 $0x1C02  }
0x7a: {  	[timem:s3], [sflag:s2] =	dma.local @!p0 [hbm:s0], s1  }
0x7b: {  	s0 =	simm.s32 @!p0 $0x2  }
0x7c: {  	_ =	swait.ge @!p0 [sflag:s0], s1  }
0x7d: {  	s1 =	ssub.s32 @!p0 $0x0, s1;
	[sflag:s0] =	ssyncset.done @!p0 $0x0  }
0x7e: {  	[sflag:s0] =	ssyncadd.s32 @!p0 s1  }
0x7f: {  	[bflag:$0x3] =	sbarrier.arrive $0xFFFF  }
0x80: {  	_ =	shalt  }

// kernel: kernel.19.cloned.1.call-start
scs
__scs_entry_jumppad:
0x0: {  	(pc) =	sbr.rel $0x88, $3  }
0x1: {  	(tag) =	ssettag $0x0;
	lr =	simm.s32 $0x1  }
0x2: {  	[smem:$0x3F88] =	sst lr;
	_ =	strace $0xD0000000  }
0x3: {  	_ = 	snop  }
0x4: {  	_ = 	snop  }
0x5: {  	_ = 	snop  }
0x6: {  	_ = 	snop  }
0x7: {  	_ = 	snop  }
__scs_overlays_trampoline_lowered:
0x8: {  	[smem:$0x3F97] =	sst s0  }
0x9: {  	[smem:$0x3F98] =	sst s1  }
0xa: {  	[smem:$0x3F99] =	sst s2  }
0xb: {  	[smem:$0x3F9A] =	sst s3  }
0xc: {  	[smem:$0x3F9B] =	sst s4  }
0xd: {  	[smem:$0x3F9C] =	sst s5  }
0xe: {  	[smem:$0x3F9D] =	sst s6  }
0xf: {  	[smem:$0x3F9E] =	sst s7  }
0x10: {  	[smem:$0x3F9F] =	sst s8  }
0x11: {  	[smem:$0x3FA0] =	sst s9;
	s0 =	simm.s32 @!p0 $0x0  }
0x12: {  	s1 =	sld [smem:$0x3F86];
	s0 =	simm.s32 @p0 $0x1  }
0x13: {  	[smem:$0x3FA1] =	sst s0;
	s0 =	simm.s32 @!p1 $0x0  }
0x14: {  	s2 =	sld [smem:$0x3F85];
	s0 =	simm.s32 @p1 $0x1  }
0x15: {  	[smem:$0x3FA2] =	sst s0;
	s0 =	simm.s32 @!p2 $0x0  }
0x16: {  	s3 =	sld [smem:$0x3FDB];
	s0 =	simm.s32 @p2 $0x1  }
0x17: {  	s4 =	simm.s32 $0x1BF5;
	[smem:$0x3FA4] =	sst s0  }
0x18: {  	s0 =	sld [smem:$0x3F87];
	_ =	swait.ge [sflag:s4], $0x0  }
0x19: {  	s7 =	sld [smem:$0x3F88]  }
0x1a: {  	s8 =	sadd.s32 $0xFFFFE003, lr  }
0x1b: {  	s9 =	sadd.s32 $0xFFFFFEF7, lr;
	s5 =	simm.s32 $0xFFFFFFFF;
	p2 =	slt.u32 s8, $0xFFFFF086  }
0x1c: {  	p1 =	slt.u32 s9, $0xF7A;
	s5 =	simm.s32 @!p2 $0x0  }
0x1d: {  	s5 =	simm.s32 @p1 $0x1;
	p0 =	seq.s32 s7, s2  }
0x1e: {  	s7 =	smul.u32 @!p0 $0xF7A, s2;
	p2 =	seq.s32 @!p0 s5, $0x0  }
0x1f: {  	s9 =	smul.u32 $0xF7A, s1;
	s8 =	simm.s32 @!p0 $0x1BF5;
	p2 =	por !p2, p0  }
0x20: {  	[sflag:s8] =	ssyncset.s32 @!p0 $0xFFFFF086;
	s6 =	sadd.s32 @!p0 s3, s7;
	s7 =	simm.s32 @!p0 $0x108  }
0x21: {  	s3 =	sadd.s32 s3, s9;
	s6 =	sadd.s32 @!p0 $0x88, s6;
	s7 =	simm.s32 @p2 $0x1082  }
0x22: {  	[simem:s7], [sflag:s8] =	dma.local @!p0 [hbm:s6], $0xF7A  }
0x23: {  	s9 =	sor.u32 $0xD0000000, s2;
	s6 =	simm.s32 $0x108;
	_ =	swait.ge @!p0 [sflag:s8], $0x0  }
0x24: {  	s3 =	sadd.s32 $0x88, s3;
	s6 =	simm.s32 @!p1 $0x1082;
	[sflag:s4] =	ssyncset.s32 $0xFFFFF086  }
0x25: {  	[simem:s6], [sflag:s4] =	dma.local [hbm:s3], $0xF7A  }
0x26: {  	[smem:$0x3F88] =	sst s1;
	(tag) =	ssettag s2;
	_ =	strace s9  }
0x27: {  	s1 =	sld [smem:$0x3F98]  }
0x28: {  	s2 =	sld [smem:$0x3F99]  }
0x29: {  	s4 =	sld [smem:$0x3F9B]  }
0x2a: {  	p0 =	seq.s32 s5, $0x0;
	s5 =	sld [smem:$0x3F9C]  }
0x2b: {  	s6 =	sld [smem:$0x3F9D]  }
0x2c: {  	s7 =	sld [smem:$0x3F9E]  }
0x2d: {  	s3 =	simm.s32 $0x108;
	s8 =	sld [smem:$0x3F9F]  }
0x2e: {  	s3 =	simm.s32 @!p0 $0x1082;
	s9 =	sld [smem:$0x3FA0]  }
0x2f: {  	lr =	sadd.s32 s0, s3;
	s0 =	sld [smem:$0x3F97]  }
0x30: {  	s3 =	sld [smem:$0x3F9A]  }
0x31: {  	[smem:$0x3FA3] =	sst s10  }
0x32: {  	s10 =	sld [smem:$0x3FA1];
	_ =	sdelay $0x3  }
0x33: {  	p0 =	seq.s32 s10, $0x1;
	s10 =	sld [smem:$0x3FA3];
	_ =	sdelay $0x3  }
0x34: {  	[smem:$0x3FA3] =	sst s10  }
0x35: {  	s10 =	sld [smem:$0x3FA2];
	_ =	sdelay $0x3  }
0x36: {  	p1 =	seq.s32 s10, $0x1;
	s10 =	sld [smem:$0x3FA3];
	_ =	sdelay $0x3  }
0x37: {  	[smem:$0x3FA3] =	sst s10  }
0x38: {  	s10 =	sld [smem:$0x3FA4]  }
0x39: {  	_ = 	snop;
	(pc) =	sbr.ind lr, $3  }
0x3a: {  	_ = 	snop  }
0x3b: {  	_ = 	snop  }
0x3c: {  	p2 =	seq.s32 s10, $0x1;
	s10 =	sld [smem:$0x3FA3]  }
0x3d: {  	_ =	shalt  }
0x3e: {  	_ =	shalt  }
0x3f: {  	_ =	shalt  }
0x40: {  	_ =	shalt  }
0x41: {  	_ =	shalt  }
0x42: {  	_ =	shalt  }
0x43: {  	_ =	shalt  }
0x44: {  	_ =	shalt  }
0x45: {  	_ =	shalt  }
0x46: {  	_ =	shalt  }
0x47: {  	_ =	shalt  }
0x48: {  	_ =	shalt  }
0x49: {  	_ =	shalt  }
0x4a: {  	_ =	shalt  }
0x4b: {  	_ =	shalt  }
0x4c: {  	_ =	shalt  }
0x4d: {  	_ =	shalt  }
0x4e: {  	_ =	shalt  }
0x4f: {  	_ =	shalt  }
0x50: {  	_ =	shalt  }
0x51: {  	_ =	shalt  }
0x52: {  	_ =	shalt  }
0x53: {  	_ =	shalt  }
0x54: {  	_ =	shalt  }
0x55: {  	_ =	shalt  }
0x56: {  	_ =	shalt  }
0x57: {  	_ =	shalt  }
0x58: {  	_ =	shalt  }
0x59: {  	_ =	shalt  }
0x5a: {  	_ =	shalt  }
0x5b: {  	_ =	shalt  }
0x5c: {  	_ =	shalt  }
0x5d: {  	_ =	shalt  }
0x5e: {  	_ =	shalt  }
0x5f: {  	_ =	shalt  }
0x60: {  	_ =	shalt  }
0x61: {  	_ =	shalt  }
0x62: {  	_ =	shalt  }
0x63: {  	_ =	shalt  }
0x64: {  	_ =	shalt  }
0x65: {  	_ =	shalt  }
0x66: {  	_ =	shalt  }
0x67: {  	_ =	shalt  }
0x68: {  	_ =	shalt  }
0x69: {  	_ =	shalt  }
0x6a: {  	_ =	shalt  }
0x6b: {  	_ =	shalt  }
0x6c: {  	_ =	shalt  }
0x6d: {  	_ =	shalt  }
0x6e: {  	_ =	shalt  }
0x6f: {  	_ =	shalt  }
0x70: {  	_ =	shalt  }
0x71: {  	_ =	shalt  }
0x72: {  	_ =	shalt  }
0x73: {  	_ =	shalt  }
0x74: {  	_ =	shalt  }
0x75: {  	_ =	shalt  }
0x76: {  	_ =	shalt  }
0x77: {  	_ =	shalt  }
0x78: {  	_ =	shalt  }
0x79: {  	_ =	shalt  }
0x7a: {  	_ =	shalt  }
0x7b: {  	_ =	shalt  }
0x7c: {  	_ =	shalt  }
0x7d: {  	_ =	shalt  }
0x7e: {  	_ =	shalt  }
0x7f: {  	_ =	shalt  }
0x80: {  	_ =	shalt  }
0x81: {  	_ =	shalt  }
0x82: {  	_ =	shalt  }
0x83: {  	_ =	shalt  }
0x84: {  	_ =	shalt  }
0x85: {  	_ =	shalt  }
0x86: {  	_ =	shalt  }
0x87: {  	_ =	shalt  }
.Lfunc_end0:
.L_simem_size_0:
called_computation.2_lowered:
.L_overlay_start_0:
0x88: {  	s2 =	sld [smem:$0x3FD9]  }
0x89: {  	s3 =	sld [smem:$0x3FFE];
	_ =	sdelay $0x1  }
0x8a: {  	s1 =	srdreg.scid  }
0x8b: {  	s0 =	sand.u32 $0x1, s1  }
0x8c: {  	s17 =	sshll.u32 s0, $0xA;
	s2 =	sadd.s32 s3, s2  }
0x8d: {  	s2 =	sadd.s32 s2, s17  }
0x8e: {  	[smem:$0x3FAF] =	sst s2  }
0x8f: {  	_ = 	snop  }
0x90: {  	s2 =	sld [smem:$0x3FD0];
	(tm) =	ssettm $0x1  }
0x91: {  	s18 =	sld [smem:$0x3FFB];
	_ =	sdelay $0x3  }
0x92: {  	_ =	strace s18  }
0x93: {  	s3 =	sld [smem:$0x3FFC];
	_ =	sdelay $0x3  }
0x94: {  	_ =	strace s3  }
0x95: {  	s3 =	sld [smem:$0x3FFD];
	_ =	sdelay $0x3  }
0x96: {  	_ =	strace s3  }
0x97: {  	_ =	strace $0x8FFFFFFF  }
0x98: {  	s19 =	sld [smem:$0x3FDB];
	_ =	sdelay $0x1  }
0x99: {  	s4 =	simm.s32 $_scs_section_size  }
0x9a: {  	s5 =	simm.s32 $_size__tile_overlayer_lowered;
	s6 =	simm.s32 $_tile_overlayer_lowered  }
0x9b: {  	s22 =	simm.s32 $0x1BFF;
	s21 =	sshll.u32 s6, $0x1;
	s3 =	sadd.s32 s4, s19  }
0x9c: {  	s7 =	simm.s32 $0x0;
	s20 =	sshll.u32 s5, $0x1;
	s5 =	sadd.s32 s21, s3  }
0x9d: {  	[timem:s7], [sflag:s22] =	dma.local [hbm:s5], s20  }
0x9e: {  	_ =	swait.ge [sflag:s22], s20  }
0x9f: {  	s4 =	ssub.s32 $0x0, s20;
	[sflag:s22] =	ssyncset.done $0x0  }
0xa0: {  	[sflag:s22] =	ssyncadd.s32 s4;
	_ =	sdelay $0x1  }
0xa1: {  	s23 =	simm.s32 $0x1B8B  }
0xa2: {  	_ =	swait.ge [sflag:s23], $0x1  }
0xa3: {  	[sflag:s23] =	ssyncset.done $0x0  }
0xa4: {  	s25 =	simm.s32 $0x1B8E;
	s24 =	sld [smem:$0x3FFE];
	[sflag:s23] =	ssyncadd.s32 $0xFFFFFFFF  }
0xa5: {  	s26 =	simm.s32 $execute0_lowered;
	[smem:$0x3FD2] =	sst s25  }
0xa6: {  	s5 =	sshll.u32 s26, $0x1;
	_ =	strace $0x8000004C;
	[dreg:$0x1] =	wrdreg $0xFFFFFFFF  }
0xa7: {  	s28 =	simm.s32 $_size_execute0_lowered;
	s3 =	sadd.s32 s3, s5;
	[dreg:$0x0] =	wrdreg $0x0  }
0xa8: {  	s5 =	sshll.u32 s28, $0x1;
	[dreg:$0x2] =	wrdreg s3  }
0xa9: {  	[dreg:$0x3] =	wrdreg s5  }
0xaa: {  	[dreg:$0x4] =	wrdreg $0xC0  }
0xab: {  	_ =	task [dreg:s7], $0x5FFFF  }
0xac: {  	[dreg:$0x1] =	wrdreg $0xFFFFFFFF  }
0xad: {  	[dreg:$0x0] =	wrdreg $0x60  }
0xae: {  	[dreg:$0x2] =	wrdreg s2  }
0xaf: {  	[dreg:$0x3] =	wrdreg s24  }
0xb0: {  	[dreg:$0x4] =	wrdreg $0x9  }
0xb1: {  	_ =	task.clear_ibuf [dreg:s7], $0x5FFFF;
	_ =	strace $0x9000004C  }
0xb2: {  	s29 =	simm.s32 $0x9;
	_ =	strace $0x8000004E  }
0xb3: {  	_ =	swait.ge [sflag:s29], $0x1  }
0xb4: {  	[sflag:s29] =	ssyncadd.s32 $0xFFFFFFFF  }
0xb5: {  	_ =	strace $0x9000004E  }
0xb6: {  	_ =	sfence  }
0xb7: {  	s30 =	sld [smem:$0x0];
	_ =	sdelay $0x2  }
0xb8: {  	s31 =	sshll.u32 s1, $0xD;
	s1 =	sshrl.u32 s1, $0x2  }
0xb9: {  	s3 =	sand.u32 $0x4000, s31;
	s1 =	sadd.s32 s1, s30  }
0xba: {  	s0 =	sor.u32 s3, s0;
	s1 =	sshll.u32 s1, $0x11  }
0xbb: {  	s0 =	sor.u32 s1, s0  }
0xbc: {  	s0 =	sadd.s32 $0x8F2B, s0  }
0xbd: {  	[sflag:s0] =	ssyncadd.remote.s32 $0x1  }
0xbe: {  	_ =	sfence.sel $0xFFFF  }
0xbf: {  	[dreg:$0x0] =	wrdreg $0xFFFFFFFF;
	(pc) =	sbr.abs _section_cstart, $3  }
0xc0: {  	[dreg:$0x1] =	wrdreg $0xFFFFFFFF  }
0xc1: {  	_ =	task.clear_ibuf [dreg:s7], $0x2FFFF;
	_ =	strace $0x9FFFFFFF  }
0xc2: {  	(tm) =	ssettm $0x7FFFFFFF  }
0xc3: {  	_ =	shalt  }
tec
execute0_lowered:
.L_overlay_start_1:
0x0: {  	(tag) =	ssettag $0x1  }
0x1: {  	s1 =	rddreg [dreg:$0x0]  }
0x2: {  	s4 =	rddreg [dreg:$0x1]  }
0x3: {  	s0 =	rddreg [dreg:$0x2];
	s5 =	srdreg.scid  }
0x4: {  	s3 =	simm.s32 $0x0;
	s2 =	stileid.u32;
	s10 =	simm.s32 $0x0  }
0x5: {  	s5 =	sand.u32 $0x1, s5;
	[smem:$0x7FF] =	sst s3;
	s6 =	sshll.u32 s2, $0xD  }
0x6: {  	s8 =	sshll.u32 s2, $0x11;
	s7 =	sshll.u32 s5, $0xC;
	_ =	strace $0x8000004D  }
0x7: {  	s31 =	ssub.s32 $0x2, s5;
	s8 =	sadd.s32 s8, s4;
	s5 =	sshll.u32 s5, $0x10  }
0x8: {  	s6 =	sor.u32 s7, s6;
	s9 =	sshrl.u32 s31, $0x1;
	s5 =	sadd.s32 s5, s8  }
0x9: {  	s8 =	simm.s32 $0x80;
	s6 =	sshrl.u32 s6, $0x3;
	s7 =	ssub.s32 s31, s9  }
0xa: {  	s5 =	sadd.s32 $0x28200, s5;
	s9 =	simm.s32 $0x1;
	s6 =	sadd.s32 s6, s4  }
0xb: {  	s4 =	smax.u32 s7, $0x1;
	s7 =	simm.s32 $0x2;
	s6 =	sadd.s32 $0x24200, s6  }
.LBB2_1:
0xc: {  	s11 =	sadd.s32 $0x0, s6  }
0xd: {  	[tilespmem:s3], [sflag:$0x2] =	stream.linear.gather [hbm4b:s11+s3], $0x80, $0x38;
	[tilespmem:$0x4080] =	vst v63  }
0xe: {  	_ =	swait.ge [sflag:s7], $0x80  }
0xf: {  	[sflag:s7] =	ssyncset.done $0x0  }
0x10: {  	[sflag:s7] =	ssyncadd.s32 $0xFFFFFF80  }
0x11: {  	[tilespmem:s8], [sflag:$0x1] =	stream.indirect.gather [hbm4b:s1+s8], $0x80, s3, s8, $0xb8;
	[tilespmem:$0x4080] =	vst v63  }
0x12: {  	_ =	swait.ge [sflag:s9], $0x4000  }
0x13: {  	[sflag:s9] =	ssyncset.done $0x0  }
0x14: {  	[sflag:s9] =	ssyncadd.s32 $0xFFFFC000  }
0x15: {  	[hbm4b:s5+s3] =	stream.linear.scatter [tilespmem:s8], [sflag:$0x2], $0x4000, $0x38;
	[tilespmem:$0x4080] =	vst v63  }
0x16: {  	s12 =	simm.s32 $0x10;
	_ =	swait.ge [sflag:s7], $0x4000  }
0x17: {  	s13 =	simm.s32 $0x20;
	s11 =	sadd.s32 $0x800, s5;
	[sflag:s7] =	ssyncset.done $0x0  }
.LBB2_2:
0x18: {  	s14 =	sadd.s32 s12, s6  }
0x19: {  	[sflag:s7] =	ssyncadd.s32 $0xFFFFC000;
	s12 =	smov.u32 s13;
	s15 =	sadd.s32 $0x10, s13  }
0x1a: {  	[tilespmem:s3], [sflag:$0x2] =	stream.linear.gather [hbm4b:s14+s3], $0x80, $0x38;
	[tilespmem:$0x4080] =	vst v63  }
0x1b: {  	p0 =	sne.s32 s13, $0x1F0;
	_ =	swait.ge [sflag:s7], $0x80  }
0x1c: {  	[sflag:s7] =	ssyncset.done $0x0  }
0x1d: {  	[sflag:s7] =	ssyncadd.s32 $0xFFFFFF80  }
0x1e: {  	[tilespmem:s8], [sflag:$0x1] =	stream.indirect.gather [hbm4b:s1+s8], $0x80, s3, s8, $0xb8;
	[tilespmem:$0x4080] =	vst v63  }
0x1f: {  	_ =	swait.ge [sflag:s9], $0x4000  }
.Ltmp0:
0x20: {  	[sflag:s9] =	ssyncset.done $0x0;
	(pc) =	sbr.rel @p0 .LBB2_2-.Ltmp0, $4  }
0x21: {  	[sflag:s9] =	ssyncadd.s32 $0xFFFFC000  }
0x22: {  	[hbm4b:s11+s3] =	stream.linear.scatter [tilespmem:s8], [sflag:$0x2], $0x4000, $0x38;
	[tilespmem:$0x4080] =	vst v63  }
0x23: {  	_ =	swait.ge [sflag:s7], $0x4000  }
0x24: {  	s13 =	smov.u32 s15;
	s11 =	sadd.s32 $0x800, s11;
	[sflag:s7] =	ssyncset.done $0x0  }
0x25: {  	s12 =	sadd.s32 s12, s6;
	[sflag:s7] =	ssyncadd.s32 $0xFFFFC000  }
0x26: {  	[tilespmem:s3], [sflag:$0x2] =	stream.linear.gather [hbm4b:s12+s3], $0x80, $0x38;
	[tilespmem:$0x4080] =	vst v63  }
0x27: {  	_ =	swait.ge [sflag:s7], $0x80  }
0x28: {  	[sflag:s7] =	ssyncset.done $0x0  }
0x29: {  	[sflag:s7] =	ssyncadd.s32 $0xFFFFFF80  }
0x2a: {  	[tilespmem:s8], [sflag:$0x1] =	stream.indirect.gather [hbm4b:s1+s8], $0x80, s3, s8, $0xb8;
	[tilespmem:$0x4080] =	vst v63  }
0x2b: {  	s10 =	sadd.s32 $0x1, s10;
	_ =	swait.ge [sflag:s9], $0x4000  }
0x2c: {  	p0 =	sne.s32 s10, s4;
	[sflag:s9] =	ssyncset.done $0x0  }
.Ltmp1:
0x2d: {  	[sflag:s9] =	ssyncadd.s32 $0xFFFFC000;
	(pc) =	sbr.rel @p0 .LBB2_1-.Ltmp1, $4  }
0x2e: {  	[hbm4b:s11+s3] =	stream.linear.scatter [tilespmem:s8], [sflag:$0x2], $0x4000, $0x38;
	[tilespmem:$0x4080] =	vst v63  }
0x2f: {  	_ =	swait.ge [sflag:s7], $0x4000  }
0x30: {  	[sflag:s7] =	ssyncset.done $0x0  }
0x31: {  	[sflag:s7] =	ssyncadd.s32 $0xFFFFC000  }
0x32: {  	_ =	sfence.sel $0x180000  }
0x33: {  	[bflag:$0x0] =	sbarrier.arrive $0xFFFF  }
0x34: {  	p0 =	sne.s32 s2, $0x0;
	_ =	strace $0x9000004D  }
0x35: {  	s0 =	sadd.s32 @!p0 $0x100000, s0;
	[bflag:$0x2] =	sbarrier.arrive $0xFFFF  }
0x36: {  	[sflag:s0] =	ssyncadd.tile.s32 @!p0 $0x1;
	_ =	shalt  }
.Lfunc_end2:
_tile_overlayer_lowered:
.L_overlay_start_2:
0x37: {  	(tag) =	ssettag $0x2  }
0x38: {  	s0 =	rddreg [dreg:$0x0];
	s2 =	stileid.u32  }
0x39: {  	s1 =	rddreg [dreg:$0x1];
	p0 =	sne.s32 s2, $0x0  }
0x3a: {  	s3 =	rddreg [dreg:$0x2];
	[bflag:$0x3] =	sbarrier.arrive $0xFFFF;
	s2 =	simm.s32 @!p0 $0x1C02  }
0x3b: {  	[timem:s3], [sflag:s2] =	dma.local @!p0 [hbm:s0], s1  }
0x3c: {  	s0 =	simm.s32 @!p0 $0x2  }
0x3d: {  	_ =	swait.ge @!p0 [sflag:s0], s1  }
0x3e: {  	s1 =	ssub.s32 @!p0 $0x0, s1;
	[sflag:s0] =	ssyncset.done @!p0 $0x0  }
0x3f: {  	[sflag:s0] =	ssyncadd.s32 @!p0 s1  }
0x40: {  	[bflag:$0x3] =	sbarrier.arrive $0xFFFF  }
0x41: {  	_ =	shalt  }

</sc_bundles>
